<compile_context>
chip_gen: v7x
topology: tpu7x:2x2x1
jax: 0.10.2.dev20260603
libtpu: 0.0.44.dev20260713+nightly
codegen_flags: <defaults>
</compile_context>

<pallas_src>
import functools

import jax
import jax.numpy as jnp
from jax import lax
from jax.experimental import pallas as pl
from jax.experimental.pallas import tpu as pltpu
from jax.experimental.pallas import tpu_sc as plsc

N_NODES = 10000
D = 128
OUT = 8

NC, NS = 2, 16
NTILES = NC * NS
CHUNK = 128
CHUNKS_PER_TILE = 79
EPT = CHUNK * CHUNKS_PER_TILE
E_PAD = EPT * NTILES
PAD_ROW = N_NODES
NPAD = 10240
ROWS_PER_TILE = 624
TAIL = N_NODES - NS * ROWS_PER_TILE
TAIL_BASE = NS * ROWS_PER_TILE
DROWS_PER_TILE = NPAD // NS
DEG_W = 16

_AGG_PIECES = ((0, 128), (128, 128), (256, 128), (384, 128), (512, 112))

_MESH = plsc.VectorSubcoreMesh(core_axis_name="c", subcore_axis_name="s")


@functools.partial(
    pl.kernel,
    out_type=jax.ShapeDtypeStruct((NC, N_NODES, D), jnp.float32),
    mesh=_MESH,
    scratch_types=(
        pltpu.VMEM((CHUNK,), jnp.int32),
        pltpu.VMEM((CHUNK,), jnp.int32),
        pltpu.VMEM((CHUNK, D), jnp.float32),
        pltpu.VMEM_SHARED((N_NODES, D), jnp.float32),
        pltpu.SemaphoreType.DMA,
    ),
)
def _sc_agg(feat, srcp, dstp,
            agg_out,
            sidx, didx, rows, agg_sh, sem):
    c = lax.axis_index("c")
    s = lax.axis_index("s")
    wid = s * NC + c
    base = s * ROWS_PER_TILE

    zero16 = jnp.zeros((16,), jnp.float32)

    def fill(r, carry):
        for cc in range(D // 16):
            rows[r, pl.ds(cc * 16, 16)] = zero16
        return carry

    lax.fori_loop(0, CHUNK, fill, 0)

    for j, sz in _AGG_PIECES:
        pltpu.sync_copy(rows.at[pl.ds(0, sz)], agg_sh.at[pl.ds(base + j, sz)])

    @pl.when(s == NS - 1)
    def _():
        pltpu.sync_copy(rows.at[pl.ds(0, TAIL)],
                        agg_sh.at[pl.ds(TAIL_BASE, TAIL)])

    plsc.subcore_barrier()

    def body(ci, carry):
        off = wid * EPT + ci * CHUNK
        pltpu.sync_copy(srcp.at[pl.ds(off, CHUNK)], sidx)
        pltpu.sync_copy(dstp.at[pl.ds(off, CHUNK)], didx)
        pltpu.async_copy(feat.at[sidx], rows, sem).wait()
        pltpu.sync_copy(rows, agg_sh.at[didx], add=True)
        return carry

    lax.fori_loop(0, CHUNKS_PER_TILE, body, 0)
    plsc.subcore_barrier()

    for j, sz in _AGG_PIECES:
        pltpu.sync_copy(agg_sh.at[pl.ds(base + j, sz)], rows.at[pl.ds(0, sz)])
        pltpu.sync_copy(rows.at[pl.ds(0, sz)],
                        agg_out.at[c, pl.ds(base + j, sz)])

    @pl.when(s == NS - 1)
    def _():
        pltpu.sync_copy(agg_sh.at[pl.ds(TAIL_BASE, TAIL)],
                        rows.at[pl.ds(0, TAIL)])
        pltpu.sync_copy(rows.at[pl.ds(0, TAIL)],
                        agg_out.at[c, pl.ds(TAIL_BASE, TAIL)])


@functools.partial(
    pl.kernel,
    out_type=jax.ShapeDtypeStruct((NC, NPAD, D), jnp.float32),
    mesh=_MESH,
    scratch_types=(
        pltpu.VMEM((CHUNK,), jnp.int32),
        pltpu.VMEM((CHUNK, D), jnp.float32),
        pltpu.VMEM_SHARED((NPAD, D), jnp.float32),
    ),
)
def _sc_deg(srcp, deg_out, sidx, ones_v, deg_sh):
    c = lax.axis_index("c")
    s = lax.axis_index("s")
    wid = s * NC + c
    dbase = s * DROWS_PER_TILE

    zero16 = jnp.zeros((16,), jnp.float32)

    def fillz(r, carry):
        for cc in range(D // 16):
            ones_v[r, pl.ds(cc * 16, 16)] = zero16
        return carry

    lax.fori_loop(0, CHUNK, fillz, 0)
    for j in range(DROWS_PER_TILE // CHUNK):
        pltpu.sync_copy(ones_v, deg_sh.at[pl.ds(dbase + j * CHUNK, CHUNK)])

    one16 = jnp.ones((16,), jnp.float32)

    def fill1(r, carry):
        for cc in range(D // 16):
            ones_v[r, pl.ds(cc * 16, 16)] = one16
        return carry

    lax.fori_loop(0, CHUNK, fill1, 0)
    plsc.subcore_barrier()

    def body(ci, carry):
        off = wid * EPT + ci * CHUNK
        pltpu.sync_copy(srcp.at[pl.ds(off, CHUNK)], sidx)
        pltpu.sync_copy(ones_v, deg_sh.at[sidx], add=True)
        return carry

    lax.fori_loop(0, CHUNKS_PER_TILE, body, 0)
    plsc.subcore_barrier()

    for j in range(DROWS_PER_TILE // CHUNK):
        pltpu.sync_copy(deg_sh.at[pl.ds(dbase + j * CHUNK, CHUNK)], ones_v)
        pltpu.sync_copy(ones_v, deg_out.at[c, pl.ds(dbase + j * CHUNK, CHUNK)])


BLK = 1000
GRID = N_NODES // BLK


def _tc_body(aggp_ref, deg_ref, W1_ref, W2_ref, Wfc_ref, out_ref, gacc):
    i = pl.program_id(0)

    @pl.when(i == 0)
    def _():
        gacc[...] = jnp.zeros_like(gacc)

    a = aggp_ref[0] + aggp_ref[1]
    h = jnp.maximum(
        jnp.dot(a, W1_ref[...], preferred_element_type=jnp.float32,
                precision=lax.Precision.HIGHEST), 0.0)
    w3 = deg_ref[0, :, 0:1] + deg_ref[1, :, 0:1]
    gacc[...] += jnp.sum(w3 * h, axis=0, keepdims=True)

    @pl.when(i == GRID - 1)
    def _():
        g = gacc[...] * (1.0 / N_NODES)
        z = jnp.dot(g, W2_ref[...], preferred_element_type=jnp.float32,
                    precision=lax.Precision.HIGHEST)
        o = jnp.dot(z, Wfc_ref[...], preferred_element_type=jnp.float32,
                    precision=lax.Precision.HIGHEST)
        out_ref[...] = jax.nn.sigmoid(o)


_tc_final = pl.pallas_call(
    _tc_body,
    grid=(GRID,),
    in_specs=[
        pl.BlockSpec((NC, BLK, D), lambda i: (0, i, 0)),
        pl.BlockSpec((NC, BLK, D), lambda i: (0, i, 0)),
        pl.BlockSpec((D, D), lambda i: (0, 0)),
        pl.BlockSpec((D, D), lambda i: (0, 0)),
        pl.BlockSpec((D, OUT), lambda i: (0, 0)),
    ],
    out_specs=pl.BlockSpec((1, OUT), lambda i: (0, 0)),
    out_shape=jax.ShapeDtypeStruct((1, OUT), jnp.float32),
    scratch_shapes=[pltpu.VMEM((1, D), jnp.float32)],
)


def kernel(features, edge_index, W1, W2, Wfc):
    src = edge_index[0].astype(jnp.int32)
    dst = edge_index[1].astype(jnp.int32)
    e = src.shape[0]
    feat_pad = jnp.concatenate(
        [features, jnp.zeros((NPAD - N_NODES, D), jnp.float32)], axis=0)
    srcp = jnp.concatenate([src, jnp.full((E_PAD - e,), PAD_ROW, jnp.int32)])
    dstp = jnp.concatenate([dst, jnp.zeros((E_PAD - e,), jnp.int32)])
    aggp = _sc_agg(feat_pad, srcp, dstp)
    degp = _sc_deg(srcp)
    return _tc_final(aggp, degp[:, :N_NODES, :], W1, W2, Wfc)

# --- scband reference (transcript-rebuilt; emitter-appended) ---
"""Pipeline reference for scband-net-gcn-44186623541946 (READ-ONLY COPY).

The authoritative reference and input builder live on the scoring server;
editing this copy changes nothing except your own understanding.
"""

import jax, jax.numpy as jnp
import numpy as np

N_NODES = 10000
N_EDGES = 320000
D_FEAT = 128
DIM = 128
OUT = 8

def setup_inputs(seed: int = 0) -> dict:
    key = jax.random.key(seed)
    k1, k2, k3, k4, k5 = jax.random.split(key, 5)
    features = jax.random.normal(k1, (N_NODES, D_FEAT), dtype=jnp.float32)
    edge_index = jax.random.randint(k2, (2, N_EDGES), 0, N_NODES, dtype=jnp.int64)
    # GraphConv weights (bias=False), Linear fc1 (bias=False)
    W1 = jax.random.normal(k3, (D_FEAT, DIM), dtype=jnp.float32) * (1.0 / np.sqrt(D_FEAT))
    W2 = jax.random.normal(k4, (DIM, DIM), dtype=jnp.float32) * (1.0 / np.sqrt(DIM))
    Wfc = jax.random.normal(k5, (DIM, OUT), dtype=jnp.float32) * (1.0 / np.sqrt(DIM))
    return {"features": features, "edge_index": edge_index, "W1": W1, "W2": W2, "Wfc": Wfc}

def reference(features, edge_index, W1, W2, Wfc):
    # DGL GraphConv, norm='none', bias=False, in_feats == out_feats:
    # aggregate (copy_src -> sum at dst) first, then multiply by weight.
    src = edge_index[0]
    dst = edge_index[1]
    n = features.shape[0]
    # conv1 + relu
    agg1 = jax.ops.segment_sum(jnp.take(features, src, axis=0), dst, num_segments=n)
    h = jax.nn.relu(agg1 @ W1)
    # conv2
    agg2 = jax.ops.segment_sum(jnp.take(h, src, axis=0), dst, num_segments=n)
    h = agg2 @ W2
    # dgl.mean_nodes: single graph in batch -> mean over all nodes, shape [1, DIM]
    g_read = jnp.mean(h, axis=0, keepdims=True)
    # fc1 then torch.sigmoid
    out = jax.nn.sigmoid(g_read @ Wfc)
    return out

if __name__ == "__main__":
    import jax
    _d = setup_inputs()
    print(jax.jit(kernel)(*tuple(_d.values())))

</pallas_src>

<mosaic_0001>
#map = affine_map<(d0, d1) -> (0)>
#map1 = affine_map<(d0, d1) -> (0, 0, 0)>
module attributes {stable_mosaic.version = 14 : i64} {
  func.func @_sc_deg(%arg0: i32, %arg1: i32, %arg2: memref<323584xi32, #tpu.memory_space<hbm>>, %arg3: memref<2x10240x128xf32, #tpu.memory_space<hbm>>, %arg4: memref<128xi32, #tpu.memory_space<vmem>>, %arg5: memref<128x128xf32, #tpu.memory_space<vmem>>, %arg6: memref<10240x128xf32, #tpu.memory_space<vmem_shared>>) attributes {dimension_semantics = [#tpu.dimension_semantics<core_parallel>, #tpu.dimension_semantics<subcore_parallel>], iteration_bounds = array<i64: 2, 16>, scalar_prefetch = 0 : i64, scratch_operands = 3 : i64, tpu.core_type = #tpu.core_type<sc_vector_subcore>, window_params = [{transform_indices = #map}, {transform_indices = #map1}]} {
    %mul3A = arith.constant 2 : i32
    %mul3A_0 = arith.muli %arg1, %mul3A : i32
    %add3A = arith.addi %mul3A_0, %arg0 : i32
    %mul3A_1 = arith.constant 640 : i32
    %mul3A_2 = arith.muli %arg1, %mul3A_1 : i32
    %broadcast_in_dim3A = arith.constant 0.000000e+00 : f32
    %broadcast_in_dim3A_3 = vector.broadcast %broadcast_in_dim3A : f32 to vector<16xf32>
    %scan3A = arith.constant 0 : i32
    %scan3A_4 = arith.constant 0 : i32
    %scan3A_5 = arith.constant 128 : i32
    %scan3A_6 = arith.addi %scan3A_4, %scan3A_5 : i32
    %scan3A_7 = arith.constant 1 : i32
    scf.for %scan3A_54 = %scan3A_4 to %scan3A_6 step %scan3A_7  : i32 {
      %swap3A = arith.index_cast %scan3A_54 : i32 to index
      %swap3A_55 = arith.constant 0 : index
      %swap3A_56 = tpu.vector_load %arg5[%swap3A, %swap3A_55] {strides = array<i32>} : memref<128x128xf32, #tpu.memory_space<vmem>>, vector<1x16xf32>,
      %swap3A_57 = vector.shape_cast %swap3A_56 : vector<1x16xf32> to vector<16xf32>
      %swap3A_58 = vector.shape_cast %broadcast_in_dim3A_3 : vector<16xf32> to vector<1x16xf32>
      tpu.vector_store %arg5[%swap3A, %swap3A_55], %swap3A_58 {strides = array<i32>} : memref<128x128xf32, #tpu.memory_space<vmem>>, vector<1x16xf32>,
      %swap3A_59 = arith.index_cast %scan3A_54 : i32 to index
      %swap3A_60 = arith.constant 16 : index
      %swap3A_61 = tpu.vector_load %arg5[%swap3A_59, %swap3A_60] {strides = array<i32>} : memref<128x128xf32, #tpu.memory_space<vmem>>, vector<1x16xf32>,
      %swap3A_62 = vector.shape_cast %swap3A_61 : vector<1x16xf32> to vector<16xf32>
      %swap3A_63 = vector.shape_cast %broadcast_in_dim3A_3 : vector<16xf32> to vector<1x16xf32>
      tpu.vector_store %arg5[%swap3A_59, %swap3A_60], %swap3A_63 {strides = array<i32>} : memref<128x128xf32, #tpu.memory_space<vmem>>, vector<1x16xf32>,
      %swap3A_64 = arith.index_cast %scan3A_54 : i32 to index
      %swap3A_65 = arith.constant 32 : index
      %swap3A_66 = tpu.vector_load %arg5[%swap3A_64, %swap3A_65] {strides = array<i32>} : memref<128x128xf32, #tpu.memory_space<vmem>>, vector<1x16xf32>,
      %swap3A_67 = vector.shape_cast %swap3A_66 : vector<1x16xf32> to vector<16xf32>
      %swap3A_68 = vector.shape_cast %broadcast_in_dim3A_3 : vector<16xf32> to vector<1x16xf32>
      tpu.vector_store %arg5[%swap3A_64, %swap3A_65], %swap3A_68 {strides = array<i32>} : memref<128x128xf32, #tpu.memory_space<vmem>>, vector<1x16xf32>,
      %swap3A_69 = arith.index_cast %scan3A_54 : i32 to index
      %swap3A_70 = arith.constant 48 : index
      %swap3A_71 = tpu.vector_load %arg5[%swap3A_69, %swap3A_70] {strides = array<i32>} : memref<128x128xf32, #tpu.memory_space<vmem>>, vector<1x16xf32>,
      %swap3A_72 = vector.shape_cast %swap3A_71 : vector<1x16xf32> to vector<16xf32>
      %swap3A_73 = vector.shape_cast %broadcast_in_dim3A_3 : vector<16xf32> to vector<1x16xf32>
      tpu.vector_store %arg5[%swap3A_69, %swap3A_70], %swap3A_73 {strides = array<i32>} : memref<128x128xf32, #tpu.memory_space<vmem>>, vector<1x16xf32>,
      %swap3A_74 = arith.index_cast %scan3A_54 : i32 to index
      %swap3A_75 = arith.constant 64 : index
      %swap3A_76 = tpu.vector_load %arg5[%swap3A_74, %swap3A_75] {strides = array<i32>} : memref<128x128xf32, #tpu.memory_space<vmem>>, vector<1x16xf32>,
      %swap3A_77 = vector.shape_cast %swap3A_76 : vector<1x16xf32> to vector<16xf32>
      %swap3A_78 = vector.shape_cast %broadcast_in_dim3A_3 : vector<16xf32> to vector<1x16xf32>
      tpu.vector_store %arg5[%swap3A_74, %swap3A_75], %swap3A_78 {strides = array<i32>} : memref<128x128xf32, #tpu.memory_space<vmem>>, vector<1x16xf32>,
      %swap3A_79 = arith.index_cast %scan3A_54 : i32 to index
      %swap3A_80 = arith.constant 80 : index
      %swap3A_81 = tpu.vector_load %arg5[%swap3A_79, %swap3A_80] {strides = array<i32>} : memref<128x128xf32, #tpu.memory_space<vmem>>, vector<1x16xf32>,
      %swap3A_82 = vector.shape_cast %swap3A_81 : vector<1x16xf32> to vector<16xf32>
      %swap3A_83 = vector.shape_cast %broadcast_in_dim3A_3 : vector<16xf32> to vector<1x16xf32>
      tpu.vector_store %arg5[%swap3A_79, %swap3A_80], %swap3A_83 {strides = array<i32>} : memref<128x128xf32, #tpu.memory_space<vmem>>, vector<1x16xf32>,
      %swap3A_84 = arith.index_cast %scan3A_54 : i32 to index
      %swap3A_85 = arith.constant 96 : index
      %swap3A_86 = tpu.vector_load %arg5[%swap3A_84, %swap3A_85] {strides = array<i32>} : memref<128x128xf32, #tpu.memory_space<vmem>>, vector<1x16xf32>,
      %swap3A_87 = vector.shape_cast %swap3A_86 : vector<1x16xf32> to vector<16xf32>
      %swap3A_88 = vector.shape_cast %broadcast_in_dim3A_3 : vector<16xf32> to vector<1x16xf32>
      tpu.vector_store %arg5[%swap3A_84, %swap3A_85], %swap3A_88 {strides = array<i32>} : memref<128x128xf32, #tpu.memory_space<vmem>>, vector<1x16xf32>,
      %swap3A_89 = arith.index_cast %scan3A_54 : i32 to index
      %swap3A_90 = arith.constant 112 : index
      %swap3A_91 = tpu.vector_load %arg5[%swap3A_89, %swap3A_90] {strides = array<i32>} : memref<128x128xf32, #tpu.memory_space<vmem>>, vector<1x16xf32>,
      %swap3A_92 = vector.shape_cast %swap3A_91 : vector<1x16xf32> to vector<16xf32>
      %swap3A_93 = vector.shape_cast %broadcast_in_dim3A_3 : vector<16xf32> to vector<1x16xf32>
      tpu.vector_store %arg5[%swap3A_89, %swap3A_90], %swap3A_93 {strides = array<i32>} : memref<128x128xf32, #tpu.memory_space<vmem>>, vector<1x16xf32>,
    }
    %scan3A_8 = arith.constant 128 : i32
    %add3A_9 = arith.constant 0 : i32
    %add3A_10 = arith.addi %mul3A_2, %add3A_9 : i32
    "tpu.region"() ({
      %run_scoped3A = tpu.sem_alloc : memref<!tpu.dma_semaphore, #tpu.memory_space<semaphore_mem>>
      %dma_start3A = arith.constant 0 : i32
      %dma_start3A_54 = tpu.memref_slice %arg6[%add3A_10, %dma_start3A] : memref<10240x128xf32, #tpu.memory_space<vmem_shared>> -> memref<128x128xf32, #tpu.memory_space<vmem_shared>>
      %dma_start3A_55 = arith.constant 0 : i32
      %dma_start3A_56 = tpu.memref_slice %arg6[%add3A_10, %dma_start3A_55] : memref<10240x128xf32, #tpu.memory_space<vmem_shared>> -> memref<128x128xf32, #tpu.memory_space<vmem_shared>>
      tpu.enqueue_dma source(%arg5 : memref<128x128xf32, #tpu.memory_space<vmem>>) target(%dma_start3A_56 : memref<128x128xf32, #tpu.memory_space<vmem_shared>>) target_semaphore(%run_scoped3A : memref<!tpu.dma_semaphore, #tpu.memory_space<semaphore_mem>>)
      %dma_wait3A = arith.constant 0 : i32
      %dma_wait3A_57 = tpu.memref_slice %arg6[%add3A_10, %dma_wait3A] : memref<10240x128xf32, #tpu.memory_space<vmem_shared>> -> memref<128x128xf32, #tpu.memory_space<vmem_shared>>
      %dma_wait3A_58 = arith.constant 0 : i32
      %dma_wait3A_59 = tpu.memref_slice %arg6[%add3A_10, %dma_wait3A_58] : memref<10240x128xf32, #tpu.memory_space<vmem_shared>> -> memref<128x128xf32, #tpu.memory_space<vmem_shared>>
      tpu.wait_dma2 semaphore(%run_scoped3A : memref<!tpu.dma_semaphore, #tpu.memory_space<semaphore_mem>>) src(%arg5 : memref<128x128xf32, #tpu.memory_space<vmem>>) dst(%dma_wait3A_59 : memref<128x128xf32, #tpu.memory_space<vmem_shared>>)
      tpu.yield
    }) : () -> ()
    %add3A_11 = arith.constant 128 : i32
    %add3A_12 = arith.addi %mul3A_2, %add3A_11 : i32
    "tpu.region"() ({
      %run_scoped3A = tpu.sem_alloc : memref<!tpu.dma_semaphore, #tpu.memory_space<semaphore_mem>>
      %dma_start3A = arith.constant 0 : i32
      %dma_start3A_54 = tpu.memref_slice %arg6[%add3A_12, %dma_start3A] : memref<10240x128xf32, #tpu.memory_space<vmem_shared>> -> memref<128x128xf32, #tpu.memory_space<vmem_shared>>
      %dma_start3A_55 = arith.constant 0 : i32
      %dma_start3A_56 = tpu.memref_slice %arg6[%add3A_12, %dma_start3A_55] : memref<10240x128xf32, #tpu.memory_space<vmem_shared>> -> memref<128x128xf32, #tpu.memory_space<vmem_shared>>
      tpu.enqueue_dma source(%arg5 : memref<128x128xf32, #tpu.memory_space<vmem>>) target(%dma_start3A_56 : memref<128x128xf32, #tpu.memory_space<vmem_shared>>) target_semaphore(%run_scoped3A : memref<!tpu.dma_semaphore, #tpu.memory_space<semaphore_mem>>)
      %dma_wait3A = arith.constant 0 : i32
      %dma_wait3A_57 = tpu.memref_slice %arg6[%add3A_12, %dma_wait3A] : memref<10240x128xf32, #tpu.memory_space<vmem_shared>> -> memref<128x128xf32, #tpu.memory_space<vmem_shared>>
      %dma_wait3A_58 = arith.constant 0 : i32
      %dma_wait3A_59 = tpu.memref_slice %arg6[%add3A_12, %dma_wait3A_58] : memref<10240x128xf32, #tpu.memory_space<vmem_shared>> -> memref<128x128xf32, #tpu.memory_space<vmem_shared>>
      tpu.wait_dma2 semaphore(%run_scoped3A : memref<!tpu.dma_semaphore, #tpu.memory_space<semaphore_mem>>) src(%arg5 : memref<128x128xf32, #tpu.memory_space<vmem>>) dst(%dma_wait3A_59 : memref<128x128xf32, #tpu.memory_space<vmem_shared>>)
      tpu.yield
    }) : () -> ()
    %add3A_13 = arith.constant 256 : i32
    %add3A_14 = arith.addi %mul3A_2, %add3A_13 : i32
    "tpu.region"() ({
      %run_scoped3A = tpu.sem_alloc : memref<!tpu.dma_semaphore, #tpu.memory_space<semaphore_mem>>
      %dma_start3A = arith.constant 0 : i32
      %dma_start3A_54 = tpu.memref_slice %arg6[%add3A_14, %dma_start3A] : memref<10240x128xf32, #tpu.memory_space<vmem_shared>> -> memref<128x128xf32, #tpu.memory_space<vmem_shared>>
      %dma_start3A_55 = arith.constant 0 : i32
      %dma_start3A_56 = tpu.memref_slice %arg6[%add3A_14, %dma_start3A_55] : memref<10240x128xf32, #tpu.memory_space<vmem_shared>> -> memref<128x128xf32, #tpu.memory_space<vmem_shared>>
      tpu.enqueue_dma source(%arg5 : memref<128x128xf32, #tpu.memory_space<vmem>>) target(%dma_start3A_56 : memref<128x128xf32, #tpu.memory_space<vmem_shared>>) target_semaphore(%run_scoped3A : memref<!tpu.dma_semaphore, #tpu.memory_space<semaphore_mem>>)
      %dma_wait3A = arith.constant 0 : i32
      %dma_wait3A_57 = tpu.memref_slice %arg6[%add3A_14, %dma_wait3A] : memref<10240x128xf32, #tpu.memory_space<vmem_shared>> -> memref<128x128xf32, #tpu.memory_space<vmem_shared>>
      %dma_wait3A_58 = arith.constant 0 : i32
      %dma_wait3A_59 = tpu.memref_slice %arg6[%add3A_14, %dma_wait3A_58] : memref<10240x128xf32, #tpu.memory_space<vmem_shared>> -> memref<128x128xf32, #tpu.memory_space<vmem_shared>>
      tpu.wait_dma2 semaphore(%run_scoped3A : memref<!tpu.dma_semaphore, #tpu.memory_space<semaphore_mem>>) src(%arg5 : memref<128x128xf32, #tpu.memory_space<vmem>>) dst(%dma_wait3A_59 : memref<128x128xf32, #tpu.memory_space<vmem_shared>>)
      tpu.yield
    }) : () -> ()
    %add3A_15 = arith.constant 384 : i32
    %add3A_16 = arith.addi %mul3A_2, %add3A_15 : i32
    "tpu.region"() ({
      %run_scoped3A = tpu.sem_alloc : memref<!tpu.dma_semaphore, #tpu.memory_space<semaphore_mem>>
      %dma_start3A = arith.constant 0 : i32
      %dma_start3A_54 = tpu.memref_slice %arg6[%add3A_16, %dma_start3A] : memref<10240x128xf32, #tpu.memory_space<vmem_shared>> -> memref<128x128xf32, #tpu.memory_space<vmem_shared>>
      %dma_start3A_55 = arith.constant 0 : i32
      %dma_start3A_56 = tpu.memref_slice %arg6[%add3A_16, %dma_start3A_55] : memref<10240x128xf32, #tpu.memory_space<vmem_shared>> -> memref<128x128xf32, #tpu.memory_space<vmem_shared>>
      tpu.enqueue_dma source(%arg5 : memref<128x128xf32, #tpu.memory_space<vmem>>) target(%dma_start3A_56 : memref<128x128xf32, #tpu.memory_space<vmem_shared>>) target_semaphore(%run_scoped3A : memref<!tpu.dma_semaphore, #tpu.memory_space<semaphore_mem>>)
      %dma_wait3A = arith.constant 0 : i32
      %dma_wait3A_57 = tpu.memref_slice %arg6[%add3A_16, %dma_wait3A] : memref<10240x128xf32, #tpu.memory_space<vmem_shared>> -> memref<128x128xf32, #tpu.memory_space<vmem_shared>>
      %dma_wait3A_58 = arith.constant 0 : i32
      %dma_wait3A_59 = tpu.memref_slice %arg6[%add3A_16, %dma_wait3A_58] : memref<10240x128xf32, #tpu.memory_space<vmem_shared>> -> memref<128x128xf32, #tpu.memory_space<vmem_shared>>
      tpu.wait_dma2 semaphore(%run_scoped3A : memref<!tpu.dma_semaphore, #tpu.memory_space<semaphore_mem>>) src(%arg5 : memref<128x128xf32, #tpu.memory_space<vmem>>) dst(%dma_wait3A_59 : memref<128x128xf32, #tpu.memory_space<vmem_shared>>)
      tpu.yield
    }) : () -> ()
    %add3A_17 = arith.constant 512 : i32
    %add3A_18 = arith.addi %mul3A_2, %add3A_17 : i32
    "tpu.region"() ({
      %run_scoped3A = tpu.sem_alloc : memref<!tpu.dma_semaphore, #tpu.memory_space<semaphore_mem>>
      %dma_start3A = arith.constant 0 : i32
      %dma_start3A_54 = tpu.memref_slice %arg6[%add3A_18, %dma_start3A] : memref<10240x128xf32, #tpu.memory_space<vmem_shared>> -> memref<128x128xf32, #tpu.memory_space<vmem_shared>>
      %dma_start3A_55 = arith.constant 0 : i32
      %dma_start3A_56 = tpu.memref_slice %arg6[%add3A_18, %dma_start3A_55] : memref<10240x128xf32, #tpu.memory_space<vmem_shared>> -> memref<128x128xf32, #tpu.memory_space<vmem_shared>>
      tpu.enqueue_dma source(%arg5 : memref<128x128xf32, #tpu.memory_space<vmem>>) target(%dma_start3A_56 : memref<128x128xf32, #tpu.memory_space<vmem_shared>>) target_semaphore(%run_scoped3A : memref<!tpu.dma_semaphore, #tpu.memory_space<semaphore_mem>>)
      %dma_wait3A = arith.constant 0 : i32
      %dma_wait3A_57 = tpu.memref_slice %arg6[%add3A_18, %dma_wait3A] : memref<10240x128xf32, #tpu.memory_space<vmem_shared>> -> memref<128x128xf32, #tpu.memory_space<vmem_shared>>
      %dma_wait3A_58 = arith.constant 0 : i32
      %dma_wait3A_59 = tpu.memref_slice %arg6[%add3A_18, %dma_wait3A_58] : memref<10240x128xf32, #tpu.memory_space<vmem_shared>> -> memref<128x128xf32, #tpu.memory_space<vmem_shared>>
      tpu.wait_dma2 semaphore(%run_scoped3A : memref<!tpu.dma_semaphore, #tpu.memory_space<semaphore_mem>>) src(%arg5 : memref<128x128xf32, #tpu.memory_space<vmem>>) dst(%dma_wait3A_59 : memref<128x128xf32, #tpu.memory_space<vmem_shared>>)
      tpu.yield
    }) : () -> ()
    %broadcast_in_dim3A_19 = arith.constant 1.000000e+00 : f32
    %broadcast_in_dim3A_20 = vector.broadcast %broadcast_in_dim3A_19 : f32 to vector<16xf32>
    %scan3A_21 = arith.constant 0 : i32
    %scan3A_22 = arith.constant 0 : i32
    %scan3A_23 = arith.constant 128 : i32
    %scan3A_24 = arith.addi %scan3A_22, %scan3A_23 : i32
    %scan3A_25 = arith.constant 1 : i32
    scf.for %scan3A_54 = %scan3A_22 to %scan3A_24 step %scan3A_25  : i32 {
      %swap3A = arith.index_cast %scan3A_54 : i32 to index
      %swap3A_55 = arith.constant 0 : index
      %swap3A_56 = tpu.vector_load %arg5[%swap3A, %swap3A_55] {strides = array<i32>} : memref<128x128xf32, #tpu.memory_space<vmem>>, vector<1x16xf32>,
      %swap3A_57 = vector.shape_cast %swap3A_56 : vector<1x16xf32> to vector<16xf32>
      %swap3A_58 = vector.shape_cast %broadcast_in_dim3A_20 : vector<16xf32> to vector<1x16xf32>
      tpu.vector_store %arg5[%swap3A, %swap3A_55], %swap3A_58 {strides = array<i32>} : memref<128x128xf32, #tpu.memory_space<vmem>>, vector<1x16xf32>,
      %swap3A_59 = arith.index_cast %scan3A_54 : i32 to index
      %swap3A_60 = arith.constant 16 : index
      %swap3A_61 = tpu.vector_load %arg5[%swap3A_59, %swap3A_60] {strides = array<i32>} : memref<128x128xf32, #tpu.memory_space<vmem>>, vector<1x16xf32>,
      %swap3A_62 = vector.shape_cast %swap3A_61 : vector<1x16xf32> to vector<16xf32>
      %swap3A_63 = vector.shape_cast %broadcast_in_dim3A_20 : vector<16xf32> to vector<1x16xf32>
      tpu.vector_store %arg5[%swap3A_59, %swap3A_60], %swap3A_63 {strides = array<i32>} : memref<128x128xf32, #tpu.memory_space<vmem>>, vector<1x16xf32>,
      %swap3A_64 = arith.index_cast %scan3A_54 : i32 to index
      %swap3A_65 = arith.constant 32 : index
      %swap3A_66 = tpu.vector_load %arg5[%swap3A_64, %swap3A_65] {strides = array<i32>} : memref<128x128xf32, #tpu.memory_space<vmem>>, vector<1x16xf32>,
      %swap3A_67 = vector.shape_cast %swap3A_66 : vector<1x16xf32> to vector<16xf32>
      %swap3A_68 = vector.shape_cast %broadcast_in_dim3A_20 : vector<16xf32> to vector<1x16xf32>
      tpu.vector_store %arg5[%swap3A_64, %swap3A_65], %swap3A_68 {strides = array<i32>} : memref<128x128xf32, #tpu.memory_space<vmem>>, vector<1x16xf32>,
      %swap3A_69 = arith.index_cast %scan3A_54 : i32 to index
      %swap3A_70 = arith.constant 48 : index
      %swap3A_71 = tpu.vector_load %arg5[%swap3A_69, %swap3A_70] {strides = array<i32>} : memref<128x128xf32, #tpu.memory_space<vmem>>, vector<1x16xf32>,
      %swap3A_72 = vector.shape_cast %swap3A_71 : vector<1x16xf32> to vector<16xf32>
      %swap3A_73 = vector.shape_cast %broadcast_in_dim3A_20 : vector<16xf32> to vector<1x16xf32>
      tpu.vector_store %arg5[%swap3A_69, %swap3A_70], %swap3A_73 {strides = array<i32>} : memref<128x128xf32, #tpu.memory_space<vmem>>, vector<1x16xf32>,
      %swap3A_74 = arith.index_cast %scan3A_54 : i32 to index
      %swap3A_75 = arith.constant 64 : index
      %swap3A_76 = tpu.vector_load %arg5[%swap3A_74, %swap3A_75] {strides = array<i32>} : memref<128x128xf32, #tpu.memory_space<vmem>>, vector<1x16xf32>,
      %swap3A_77 = vector.shape_cast %swap3A_76 : vector<1x16xf32> to vector<16xf32>
      %swap3A_78 = vector.shape_cast %broadcast_in_dim3A_20 : vector<16xf32> to vector<1x16xf32>
      tpu.vector_store %arg5[%swap3A_74, %swap3A_75], %swap3A_78 {strides = array<i32>} : memref<128x128xf32, #tpu.memory_space<vmem>>, vector<1x16xf32>,
      %swap3A_79 = arith.index_cast %scan3A_54 : i32 to index
      %swap3A_80 = arith.constant 80 : index
      %swap3A_81 = tpu.vector_load %arg5[%swap3A_79, %swap3A_80] {strides = array<i32>} : memref<128x128xf32, #tpu.memory_space<vmem>>, vector<1x16xf32>,
      %swap3A_82 = vector.shape_cast %swap3A_81 : vector<1x16xf32> to vector<16xf32>
      %swap3A_83 = vector.shape_cast %broadcast_in_dim3A_20 : vector<16xf32> to vector<1x16xf32>
      tpu.vector_store %arg5[%swap3A_79, %swap3A_80], %swap3A_83 {strides = array<i32>} : memref<128x128xf32, #tpu.memory_space<vmem>>, vector<1x16xf32>,
      %swap3A_84 = arith.index_cast %scan3A_54 : i32 to index
      %swap3A_85 = arith.constant 96 : index
      %swap3A_86 = tpu.vector_load %arg5[%swap3A_84, %swap3A_85] {strides = array<i32>} : memref<128x128xf32, #tpu.memory_space<vmem>>, vector<1x16xf32>,
      %swap3A_87 = vector.shape_cast %swap3A_86 : vector<1x16xf32> to vector<16xf32>
      %swap3A_88 = vector.shape_cast %broadcast_in_dim3A_20 : vector<16xf32> to vector<1x16xf32>
      tpu.vector_store %arg5[%swap3A_84, %swap3A_85], %swap3A_88 {strides = array<i32>} : memref<128x128xf32, #tpu.memory_space<vmem>>, vector<1x16xf32>,
      %swap3A_89 = arith.index_cast %scan3A_54 : i32 to index
      %swap3A_90 = arith.constant 112 : index
      %swap3A_91 = tpu.vector_load %arg5[%swap3A_89, %swap3A_90] {strides = array<i32>} : memref<128x128xf32, #tpu.memory_space<vmem>>, vector<1x16xf32>,
      %swap3A_92 = vector.shape_cast %swap3A_91 : vector<1x16xf32> to vector<16xf32>
      %swap3A_93 = vector.shape_cast %broadcast_in_dim3A_20 : vector<16xf32> to vector<1x16xf32>
      tpu.vector_store %arg5[%swap3A_89, %swap3A_90], %swap3A_93 {strides = array<i32>} : memref<128x128xf32, #tpu.memory_space<vmem>>, vector<1x16xf32>,
    }
    %scan3A_26 = arith.constant 128 : i32
    %barrier3A = arith.constant 0 : index
    tpu.barrier barrier_id(%barrier3A)
    %scan3A_27 = arith.constant 0 : i32
    %scan3A_28 = arith.constant 0 : i32
    %scan3A_29 = arith.constant 79 : i32
    %scan3A_30 = arith.addi %scan3A_28, %scan3A_29 : i32
    %scan3A_31 = arith.constant 1 : i32
    scf.for %scan3A_54 = %scan3A_28 to %scan3A_30 step %scan3A_31  : i32 {
      %mul3A_55 = arith.constant 10112 : i32
      %mul3A_56 = arith.muli %add3A, %mul3A_55 : i32
      %mul3A_57 = arith.constant 128 : i32
      %mul3A_58 = arith.muli %scan3A_54, %mul3A_57 : i32
      %add3A_59 = arith.addi %mul3A_56, %mul3A_58 : i32
      "tpu.region"() ({
        %run_scoped3A = tpu.sem_alloc : memref<!tpu.dma_semaphore, #tpu.memory_space<semaphore_mem>>
        %dma_start3A = tpu.memref_slice %arg2[%add3A_59] : memref<323584xi32, #tpu.memory_space<hbm>> -> memref<128xi32, #tpu.memory_space<hbm>>
        %dma_start3A_60 = tpu.memref_slice %arg2[%add3A_59] : memref<323584xi32, #tpu.memory_space<hbm>> -> memref<128xi32, #tpu.memory_space<hbm>>
        tpu.enqueue_dma source(%dma_start3A_60 : memref<128xi32, #tpu.memory_space<hbm>>) target(%arg4 : memref<128xi32, #tpu.memory_space<vmem>>) target_semaphore(%run_scoped3A : memref<!tpu.dma_semaphore, #tpu.memory_space<semaphore_mem>>)
        %dma_wait3A = tpu.memref_slice %arg2[%add3A_59] : memref<323584xi32, #tpu.memory_space<hbm>> -> memref<128xi32, #tpu.memory_space<hbm>>
        %dma_wait3A_61 = tpu.memref_slice %arg2[%add3A_59] : memref<323584xi32, #tpu.memory_space<hbm>> -> memref<128xi32, #tpu.memory_space<hbm>>
        tpu.wait_dma2 semaphore(%run_scoped3A : memref<!tpu.dma_semaphore, #tpu.memory_space<semaphore_mem>>) src(%dma_wait3A_61 : memref<128xi32, #tpu.memory_space<hbm>>) dst(%arg4 : memref<128xi32, #tpu.memory_space<vmem>>)
        tpu.yield
      }) : () -> ()
      "tpu.region"() ({
        %run_scoped3A = tpu.sem_alloc : memref<!tpu.dma_semaphore, #tpu.memory_space<semaphore_mem>>
        %dma_start3A = arith.constant 0 : i32
        %dma_start3A_60 = arith.constant 0 : i32
        %dma_start3A_61 = tpu.memref_slice %arg6[%dma_start3A, %dma_start3A_60] : memref<10240x128xf32, #tpu.memory_space<vmem_shared>> -> memref<10240x128xf32, #tpu.memory_space<vmem_shared>>
        tpu.enqueue_indirect_dma source(%arg5 : memref<128x128xf32, #tpu.memory_space<vmem>>) target(%dma_start3A_61 : memref<10240x128xf32, #tpu.memory_space<vmem_shared>>) offsets(%arg4 : memref<128xi32, #tpu.memory_space<vmem>>) semaphore(%run_scoped3A : memref<!tpu.dma_semaphore, #tpu.memory_space<semaphore_mem>>) {add = true}
        %dma_wait3A = arith.constant 0 : i32
        %dma_wait3A_62 = arith.constant 0 : i32
        %dma_wait3A_63 = tpu.memref_slice %arg6[%dma_wait3A, %dma_wait3A_62] : memref<10240x128xf32, #tpu.memory_space<vmem_shared>> -> memref<10240x128xf32, #tpu.memory_space<vmem_shared>>
        tpu.wait_indirect_dma semaphore(%run_scoped3A : memref<!tpu.dma_semaphore, #tpu.memory_space<semaphore_mem>>) src(%arg5 : memref<128x128xf32, #tpu.memory_space<vmem>>) dst(%dma_wait3A_63 : memref<10240x128xf32, #tpu.memory_space<vmem_shared>>)
        tpu.yield
      }) : () -> ()
    }
    %scan3A_32 = arith.constant 79 : i32
    %barrier3A_33 = arith.constant 0 : index
    tpu.barrier barrier_id(%barrier3A_33)
    %add3A_34 = arith.constant 0 : i32
    %add3A_35 = arith.addi %mul3A_2, %add3A_34 : i32
    "tpu.region"() ({
      %run_scoped3A = tpu.sem_alloc : memref<!tpu.dma_semaphore, #tpu.memory_space<semaphore_mem>>
      %dma_start3A = arith.constant 0 : i32
      %dma_start3A_54 = tpu.memref_slice %arg6[%add3A_35, %dma_start3A] : memref<10240x128xf32, #tpu.memory_space<vmem_shared>> -> memref<128x128xf32, #tpu.memory_space<vmem_shared>>
      %dma_start3A_55 = arith.constant 0 : i32
      %dma_start3A_56 = tpu.memref_slice %arg6[%add3A_35, %dma_start3A_55] : memref<10240x128xf32, #tpu.memory_space<vmem_shared>> -> memref<128x128xf32, #tpu.memory_space<vmem_shared>>
      tpu.enqueue_dma source(%dma_start3A_56 : memref<128x128xf32, #tpu.memory_space<vmem_shared>>) target(%arg5 : memref<128x128xf32, #tpu.memory_space<vmem>>) target_semaphore(%run_scoped3A : memref<!tpu.dma_semaphore, #tpu.memory_space<semaphore_mem>>)
      %dma_wait3A = arith.constant 0 : i32
      %dma_wait3A_57 = tpu.memref_slice %arg6[%add3A_35, %dma_wait3A] : memref<10240x128xf32, #tpu.memory_space<vmem_shared>> -> memref<128x128xf32, #tpu.memory_space<vmem_shared>>
      %dma_wait3A_58 = arith.constant 0 : i32
      %dma_wait3A_59 = tpu.memref_slice %arg6[%add3A_35, %dma_wait3A_58] : memref<10240x128xf32, #tpu.memory_space<vmem_shared>> -> memref<128x128xf32, #tpu.memory_space<vmem_shared>>
      tpu.wait_dma2 semaphore(%run_scoped3A : memref<!tpu.dma_semaphore, #tpu.memory_space<semaphore_mem>>) src(%dma_wait3A_59 : memref<128x128xf32, #tpu.memory_space<vmem_shared>>) dst(%arg5 : memref<128x128xf32, #tpu.memory_space<vmem>>)
      tpu.yield
    }) : () -> ()
    %add3A_36 = arith.constant 0 : i32
    %add3A_37 = arith.addi %mul3A_2, %add3A_36 : i32
    "tpu.region"() ({
      %run_scoped3A = tpu.sem_alloc : memref<!tpu.dma_semaphore, #tpu.memory_space<semaphore_mem>>
      %dma_start3A = arith.constant 0 : i32
      %dma_start3A_54 = tpu.memref_slice %arg3[%arg0, %add3A_37, %dma_start3A] : memref<2x10240x128xf32, #tpu.memory_space<hbm>> -> memref<1x128x128xf32, #tpu.memory_space<hbm>>
      %dma_start3A_55 = tpu.memref_squeeze %dma_start3A_54 : memref<1x128x128xf32, #tpu.memory_space<hbm>> -> memref<128x128xf32, #tpu.memory_space<hbm>>
      %dma_start3A_56 = arith.constant 0 : i32
      %dma_start3A_57 = tpu.memref_slice %arg3[%arg0, %add3A_37, %dma_start3A_56] : memref<2x10240x128xf32, #tpu.memory_space<hbm>> -> memref<1x128x128xf32, #tpu.memory_space<hbm>>
      %dma_start3A_58 = tpu.memref_squeeze %dma_start3A_57 : memref<1x128x128xf32, #tpu.memory_space<hbm>> -> memref<128x128xf32, #tpu.memory_space<hbm>>
      tpu.enqueue_dma source(%arg5 : memref<128x128xf32, #tpu.memory_space<vmem>>) target(%dma_start3A_58 : memref<128x128xf32, #tpu.memory_space<hbm>>) target_semaphore(%run_scoped3A : memref<!tpu.dma_semaphore, #tpu.memory_space<semaphore_mem>>)
      %dma_wait3A = arith.constant 0 : i32
      %dma_wait3A_59 = tpu.memref_slice %arg3[%arg0, %add3A_37, %dma_wait3A] : memref<2x10240x128xf32, #tpu.memory_space<hbm>> -> memref<1x128x128xf32, #tpu.memory_space<hbm>>
      %dma_wait3A_60 = tpu.memref_squeeze %dma_wait3A_59 : memref<1x128x128xf32, #tpu.memory_space<hbm>> -> memref<128x128xf32, #tpu.memory_space<hbm>>
      %dma_wait3A_61 = arith.constant 0 : i32
      %dma_wait3A_62 = tpu.memref_slice %arg3[%arg0, %add3A_37, %dma_wait3A_61] : memref<2x10240x128xf32, #tpu.memory_space<hbm>> -> memref<1x128x128xf32, #tpu.memory_space<hbm>>
      %dma_wait3A_63 = tpu.memref_squeeze %dma_wait3A_62 : memref<1x128x128xf32, #tpu.memory_space<hbm>> -> memref<128x128xf32, #tpu.memory_space<hbm>>
      tpu.wait_dma2 semaphore(%run_scoped3A : memref<!tpu.dma_semaphore, #tpu.memory_space<semaphore_mem>>) src(%arg5 : memref<128x128xf32, #tpu.memory_space<vmem>>) dst(%dma_wait3A_63 : memref<128x128xf32, #tpu.memory_space<hbm>>)
      tpu.yield
    }) : () -> ()
    %add3A_38 = arith.constant 128 : i32
    %add3A_39 = arith.addi %mul3A_2, %add3A_38 : i32
    "tpu.region"() ({
      %run_scoped3A = tpu.sem_alloc : memref<!tpu.dma_semaphore, #tpu.memory_space<semaphore_mem>>
      %dma_start3A = arith.constant 0 : i32
      %dma_start3A_54 = tpu.memref_slice %arg6[%add3A_39, %dma_start3A] : memref<10240x128xf32, #tpu.memory_space<vmem_shared>> -> memref<128x128xf32, #tpu.memory_space<vmem_shared>>
      %dma_start3A_55 = arith.constant 0 : i32
      %dma_start3A_56 = tpu.memref_slice %arg6[%add3A_39, %dma_start3A_55] : memref<10240x128xf32, #tpu.memory_space<vmem_shared>> -> memref<128x128xf32, #tpu.memory_space<vmem_shared>>
      tpu.enqueue_dma source(%dma_start3A_56 : memref<128x128xf32, #tpu.memory_space<vmem_shared>>) target(%arg5 : memref<128x128xf32, #tpu.memory_space<vmem>>) target_semaphore(%run_scoped3A : memref<!tpu.dma_semaphore, #tpu.memory_space<semaphore_mem>>)
      %dma_wait3A = arith.constant 0 : i32
      %dma_wait3A_57 = tpu.memref_slice %arg6[%add3A_39, %dma_wait3A] : memref<10240x128xf32, #tpu.memory_space<vmem_shared>> -> memref<128x128xf32, #tpu.memory_space<vmem_shared>>
      %dma_wait3A_58 = arith.constant 0 : i32
      %dma_wait3A_59 = tpu.memref_slice %arg6[%add3A_39, %dma_wait3A_58] : memref<10240x128xf32, #tpu.memory_space<vmem_shared>> -> memref<128x128xf32, #tpu.memory_space<vmem_shared>>
      tpu.wait_dma2 semaphore(%run_scoped3A : memref<!tpu.dma_semaphore, #tpu.memory_space<semaphore_mem>>) src(%dma_wait3A_59 : memref<128x128xf32, #tpu.memory_space<vmem_shared>>) dst(%arg5 : memref<128x128xf32, #tpu.memory_space<vmem>>)
      tpu.yield
    }) : () -> ()
    %add3A_40 = arith.constant 128 : i32
    %add3A_41 = arith.addi %mul3A_2, %add3A_40 : i32
    "tpu.region"() ({
      %run_scoped3A = tpu.sem_alloc : memref<!tpu.dma_semaphore, #tpu.memory_space<semaphore_mem>>
      %dma_start3A = arith.constant 0 : i32
      %dma_start3A_54 = tpu.memref_slice %arg3[%arg0, %add3A_41, %dma_start3A] : memref<2x10240x128xf32, #tpu.memory_space<hbm>> -> memref<1x128x128xf32, #tpu.memory_space<hbm>>
      %dma_start3A_55 = tpu.memref_squeeze %dma_start3A_54 : memref<1x128x128xf32, #tpu.memory_space<hbm>> -> memref<128x128xf32, #tpu.memory_space<hbm>>
      %dma_start3A_56 = arith.constant 0 : i32
      %dma_start3A_57 = tpu.memref_slice %arg3[%arg0, %add3A_41, %dma_start3A_56] : memref<2x10240x128xf32, #tpu.memory_space<hbm>> -> memref<1x128x128xf32, #tpu.memory_space<hbm>>
      %dma_start3A_58 = tpu.memref_squeeze %dma_start3A_57 : memref<1x128x128xf32, #tpu.memory_space<hbm>> -> memref<128x128xf32, #tpu.memory_space<hbm>>
      tpu.enqueue_dma source(%arg5 : memref<128x128xf32, #tpu.memory_space<vmem>>) target(%dma_start3A_58 : memref<128x128xf32, #tpu.memory_space<hbm>>) target_semaphore(%run_scoped3A : memref<!tpu.dma_semaphore, #tpu.memory_space<semaphore_mem>>)
      %dma_wait3A = arith.constant 0 : i32
      %dma_wait3A_59 = tpu.memref_slice %arg3[%arg0, %add3A_41, %dma_wait3A] : memref<2x10240x128xf32, #tpu.memory_space<hbm>> -> memref<1x128x128xf32, #tpu.memory_space<hbm>>
      %dma_wait3A_60 = tpu.memref_squeeze %dma_wait3A_59 : memref<1x128x128xf32, #tpu.memory_space<hbm>> -> memref<128x128xf32, #tpu.memory_space<hbm>>
      %dma_wait3A_61 = arith.constant 0 : i32
      %dma_wait3A_62 = tpu.memref_slice %arg3[%arg0, %add3A_41, %dma_wait3A_61] : memref<2x10240x128xf32, #tpu.memory_space<hbm>> -> memref<1x128x128xf32, #tpu.memory_space<hbm>>
      %dma_wait3A_63 = tpu.memref_squeeze %dma_wait3A_62 : memref<1x128x128xf32, #tpu.memory_space<hbm>> -> memref<128x128xf32, #tpu.memory_space<hbm>>
      tpu.wait_dma2 semaphore(%run_scoped3A : memref<!tpu.dma_semaphore, #tpu.memory_space<semaphore_mem>>) src(%arg5 : memref<128x128xf32, #tpu.memory_space<vmem>>) dst(%dma_wait3A_63 : memref<128x128xf32, #tpu.memory_space<hbm>>)
      tpu.yield
    }) : () -> ()
    %add3A_42 = arith.constant 256 : i32
    %add3A_43 = arith.addi %mul3A_2, %add3A_42 : i32
    "tpu.region"() ({
      %run_scoped3A = tpu.sem_alloc : memref<!tpu.dma_semaphore, #tpu.memory_space<semaphore_mem>>
      %dma_start3A = arith.constant 0 : i32
      %dma_start3A_54 = tpu.memref_slice %arg6[%add3A_43, %dma_start3A] : memref<10240x128xf32, #tpu.memory_space<vmem_shared>> -> memref<128x128xf32, #tpu.memory_space<vmem_shared>>
      %dma_start3A_55 = arith.constant 0 : i32
      %dma_start3A_56 = tpu.memref_slice %arg6[%add3A_43, %dma_start3A_55] : memref<10240x128xf32, #tpu.memory_space<vmem_shared>> -> memref<128x128xf32, #tpu.memory_space<vmem_shared>>
      tpu.enqueue_dma source(%dma_start3A_56 : memref<128x128xf32, #tpu.memory_space<vmem_shared>>) target(%arg5 : memref<128x128xf32, #tpu.memory_space<vmem>>) target_semaphore(%run_scoped3A : memref<!tpu.dma_semaphore, #tpu.memory_space<semaphore_mem>>)
      %dma_wait3A = arith.constant 0 : i32
      %dma_wait3A_57 = tpu.memref_slice %arg6[%add3A_43, %dma_wait3A] : memref<10240x128xf32, #tpu.memory_space<vmem_shared>> -> memref<128x128xf32, #tpu.memory_space<vmem_shared>>
      %dma_wait3A_58 = arith.constant 0 : i32
      %dma_wait3A_59 = tpu.memref_slice %arg6[%add3A_43, %dma_wait3A_58] : memref<10240x128xf32, #tpu.memory_space<vmem_shared>> -> memref<128x128xf32, #tpu.memory_space<vmem_shared>>
      tpu.wait_dma2 semaphore(%run_scoped3A : memref<!tpu.dma_semaphore, #tpu.memory_space<semaphore_mem>>) src(%dma_wait3A_59 : memref<128x128xf32, #tpu.memory_space<vmem_shared>>) dst(%arg5 : memref<128x128xf32, #tpu.memory_space<vmem>>)
      tpu.yield
    }) : () -> ()
    %add3A_44 = arith.constant 256 : i32
    %add3A_45 = arith.addi %mul3A_2, %add3A_44 : i32
    "tpu.region"() ({
      %run_scoped3A = tpu.sem_alloc : memref<!tpu.dma_semaphore, #tpu.memory_space<semaphore_mem>>
      %dma_start3A = arith.constant 0 : i32
      %dma_start3A_54 = tpu.memref_slice %arg3[%arg0, %add3A_45, %dma_start3A] : memref<2x10240x128xf32, #tpu.memory_space<hbm>> -> memref<1x128x128xf32, #tpu.memory_space<hbm>>
      %dma_start3A_55 = tpu.memref_squeeze %dma_start3A_54 : memref<1x128x128xf32, #tpu.memory_space<hbm>> -> memref<128x128xf32, #tpu.memory_space<hbm>>
      %dma_start3A_56 = arith.constant 0 : i32
      %dma_start3A_57 = tpu.memref_slice %arg3[%arg0, %add3A_45, %dma_start3A_56] : memref<2x10240x128xf32, #tpu.memory_space<hbm>> -> memref<1x128x128xf32, #tpu.memory_space<hbm>>
      %dma_start3A_58 = tpu.memref_squeeze %dma_start3A_57 : memref<1x128x128xf32, #tpu.memory_space<hbm>> -> memref<128x128xf32, #tpu.memory_space<hbm>>
      tpu.enqueue_dma source(%arg5 : memref<128x128xf32, #tpu.memory_space<vmem>>) target(%dma_start3A_58 : memref<128x128xf32, #tpu.memory_space<hbm>>) target_semaphore(%run_scoped3A : memref<!tpu.dma_semaphore, #tpu.memory_space<semaphore_mem>>)
      %dma_wait3A = arith.constant 0 : i32
      %dma_wait3A_59 = tpu.memref_slice %arg3[%arg0, %add3A_45, %dma_wait3A] : memref<2x10240x128xf32, #tpu.memory_space<hbm>> -> memref<1x128x128xf32, #tpu.memory_space<hbm>>
      %dma_wait3A_60 = tpu.memref_squeeze %dma_wait3A_59 : memref<1x128x128xf32, #tpu.memory_space<hbm>> -> memref<128x128xf32, #tpu.memory_space<hbm>>
      %dma_wait3A_61 = arith.constant 0 : i32
      %dma_wait3A_62 = tpu.memref_slice %arg3[%arg0, %add3A_45, %dma_wait3A_61] : memref<2x10240x128xf32, #tpu.memory_space<hbm>> -> memref<1x128x128xf32, #tpu.memory_space<hbm>>
      %dma_wait3A_63 = tpu.memref_squeeze %dma_wait3A_62 : memref<1x128x128xf32, #tpu.memory_space<hbm>> -> memref<128x128xf32, #tpu.memory_space<hbm>>
      tpu.wait_dma2 semaphore(%run_scoped3A : memref<!tpu.dma_semaphore, #tpu.memory_space<semaphore_mem>>) src(%arg5 : memref<128x128xf32, #tpu.memory_space<vmem>>) dst(%dma_wait3A_63 : memref<128x128xf32, #tpu.memory_space<hbm>>)
      tpu.yield
    }) : () -> ()
    %add3A_46 = arith.constant 384 : i32
    %add3A_47 = arith.addi %mul3A_2, %add3A_46 : i32
    "tpu.region"() ({
      %run_scoped3A = tpu.sem_alloc : memref<!tpu.dma_semaphore, #tpu.memory_space<semaphore_mem>>
      %dma_start3A = arith.constant 0 : i32
      %dma_start3A_54 = tpu.memref_slice %arg6[%add3A_47, %dma_start3A] : memref<10240x128xf32, #tpu.memory_space<vmem_shared>> -> memref<128x128xf32, #tpu.memory_space<vmem_shared>>
      %dma_start3A_55 = arith.constant 0 : i32
      %dma_start3A_56 = tpu.memref_slice %arg6[%add3A_47, %dma_start3A_55] : memref<10240x128xf32, #tpu.memory_space<vmem_shared>> -> memref<128x128xf32, #tpu.memory_space<vmem_shared>>
      tpu.enqueue_dma source(%dma_start3A_56 : memref<128x128xf32, #tpu.memory_space<vmem_shared>>) target(%arg5 : memref<128x128xf32, #tpu.memory_space<vmem>>) target_semaphore(%run_scoped3A : memref<!tpu.dma_semaphore, #tpu.memory_space<semaphore_mem>>)
      %dma_wait3A = arith.constant 0 : i32
      %dma_wait3A_57 = tpu.memref_slice %arg6[%add3A_47, %dma_wait3A] : memref<10240x128xf32, #tpu.memory_space<vmem_shared>> -> memref<128x128xf32, #tpu.memory_space<vmem_shared>>
      %dma_wait3A_58 = arith.constant 0 : i32
      %dma_wait3A_59 = tpu.memref_slice %arg6[%add3A_47, %dma_wait3A_58] : memref<10240x128xf32, #tpu.memory_space<vmem_shared>> -> memref<128x128xf32, #tpu.memory_space<vmem_shared>>
      tpu.wait_dma2 semaphore(%run_scoped3A : memref<!tpu.dma_semaphore, #tpu.memory_space<semaphore_mem>>) src(%dma_wait3A_59 : memref<128x128xf32, #tpu.memory_space<vmem_shared>>) dst(%arg5 : memref<128x128xf32, #tpu.memory_space<vmem>>)
      tpu.yield
    }) : () -> ()
    %add3A_48 = arith.constant 384 : i32
    %add3A_49 = arith.addi %mul3A_2, %add3A_48 : i32
    "tpu.region"() ({
      %run_scoped3A = tpu.sem_alloc : memref<!tpu.dma_semaphore, #tpu.memory_space<semaphore_mem>>
      %dma_start3A = arith.constant 0 : i32
      %dma_start3A_54 = tpu.memref_slice %arg3[%arg0, %add3A_49, %dma_start3A] : memref<2x10240x128xf32, #tpu.memory_space<hbm>> -> memref<1x128x128xf32, #tpu.memory_space<hbm>>
      %dma_start3A_55 = tpu.memref_squeeze %dma_start3A_54 : memref<1x128x128xf32, #tpu.memory_space<hbm>> -> memref<128x128xf32, #tpu.memory_space<hbm>>
      %dma_start3A_56 = arith.constant 0 : i32
      %dma_start3A_57 = tpu.memref_slice %arg3[%arg0, %add3A_49, %dma_start3A_56] : memref<2x10240x128xf32, #tpu.memory_space<hbm>> -> memref<1x128x128xf32, #tpu.memory_space<hbm>>
      %dma_start3A_58 = tpu.memref_squeeze %dma_start3A_57 : memref<1x128x128xf32, #tpu.memory_space<hbm>> -> memref<128x128xf32, #tpu.memory_space<hbm>>
      tpu.enqueue_dma source(%arg5 : memref<128x128xf32, #tpu.memory_space<vmem>>) target(%dma_start3A_58 : memref<128x128xf32, #tpu.memory_space<hbm>>) target_semaphore(%run_scoped3A : memref<!tpu.dma_semaphore, #tpu.memory_space<semaphore_mem>>)
      %dma_wait3A = arith.constant 0 : i32
      %dma_wait3A_59 = tpu.memref_slice %arg3[%arg0, %add3A_49, %dma_wait3A] : memref<2x10240x128xf32, #tpu.memory_space<hbm>> -> memref<1x128x128xf32, #tpu.memory_space<hbm>>
      %dma_wait3A_60 = tpu.memref_squeeze %dma_wait3A_59 : memref<1x128x128xf32, #tpu.memory_space<hbm>> -> memref<128x128xf32, #tpu.memory_space<hbm>>
      %dma_wait3A_61 = arith.constant 0 : i32
      %dma_wait3A_62 = tpu.memref_slice %arg3[%arg0, %add3A_49, %dma_wait3A_61] : memref<2x10240x128xf32, #tpu.memory_space<hbm>> -> memref<1x128x128xf32, #tpu.memory_space<hbm>>
      %dma_wait3A_63 = tpu.memref_squeeze %dma_wait3A_62 : memref<1x128x128xf32, #tpu.memory_space<hbm>> -> memref<128x128xf32, #tpu.memory_space<hbm>>
      tpu.wait_dma2 semaphore(%run_scoped3A : memref<!tpu.dma_semaphore, #tpu.memory_space<semaphore_mem>>) src(%arg5 : memref<128x128xf32, #tpu.memory_space<vmem>>) dst(%dma_wait3A_63 : memref<128x128xf32, #tpu.memory_space<hbm>>)
      tpu.yield
    }) : () -> ()
    %add3A_50 = arith.constant 512 : i32
    %add3A_51 = arith.addi %mul3A_2, %add3A_50 : i32
    "tpu.region"() ({
      %run_scoped3A = tpu.sem_alloc : memref<!tpu.dma_semaphore, #tpu.memory_space<semaphore_mem>>
      %dma_start3A = arith.constant 0 : i32
      %dma_start3A_54 = tpu.memref_slice %arg6[%add3A_51, %dma_start3A] : memref<10240x128xf32, #tpu.memory_space<vmem_shared>> -> memref<128x128xf32, #tpu.memory_space<vmem_shared>>
      %dma_start3A_55 = arith.constant 0 : i32
      %dma_start3A_56 = tpu.memref_slice %arg6[%add3A_51, %dma_start3A_55] : memref<10240x128xf32, #tpu.memory_space<vmem_shared>> -> memref<128x128xf32, #tpu.memory_space<vmem_shared>>
      tpu.enqueue_dma source(%dma_start3A_56 : memref<128x128xf32, #tpu.memory_space<vmem_shared>>) target(%arg5 : memref<128x128xf32, #tpu.memory_space<vmem>>) target_semaphore(%run_scoped3A : memref<!tpu.dma_semaphore, #tpu.memory_space<semaphore_mem>>)
      %dma_wait3A = arith.constant 0 : i32
      %dma_wait3A_57 = tpu.memref_slice %arg6[%add3A_51, %dma_wait3A] : memref<10240x128xf32, #tpu.memory_space<vmem_shared>> -> memref<128x128xf32, #tpu.memory_space<vmem_shared>>
      %dma_wait3A_58 = arith.constant 0 : i32
      %dma_wait3A_59 = tpu.memref_slice %arg6[%add3A_51, %dma_wait3A_58] : memref<10240x128xf32, #tpu.memory_space<vmem_shared>> -> memref<128x128xf32, #tpu.memory_space<vmem_shared>>
      tpu.wait_dma2 semaphore(%run_scoped3A : memref<!tpu.dma_semaphore, #tpu.memory_space<semaphore_mem>>) src(%dma_wait3A_59 : memref<128x128xf32, #tpu.memory_space<vmem_shared>>) dst(%arg5 : memref<128x128xf32, #tpu.memory_space<vmem>>)
      tpu.yield
    }) : () -> ()
    %add3A_52 = arith.constant 512 : i32
    %add3A_53 = arith.addi %mul3A_2, %add3A_52 : i32
    "tpu.region"() ({
      %run_scoped3A = tpu.sem_alloc : memref<!tpu.dma_semaphore, #tpu.memory_space<semaphore_mem>>
      %dma_start3A = arith.constant 0 : i32
      %dma_start3A_54 = tpu.memref_slice %arg3[%arg0, %add3A_53, %dma_start3A] : memref<2x10240x128xf32, #tpu.memory_space<hbm>> -> memref<1x128x128xf32, #tpu.memory_space<hbm>>
      %dma_start3A_55 = tpu.memref_squeeze %dma_start3A_54 : memref<1x128x128xf32, #tpu.memory_space<hbm>> -> memref<128x128xf32, #tpu.memory_space<hbm>>
      %dma_start3A_56 = arith.constant 0 : i32
      %dma_start3A_57 = tpu.memref_slice %arg3[%arg0, %add3A_53, %dma_start3A_56] : memref<2x10240x128xf32, #tpu.memory_space<hbm>> -> memref<1x128x128xf32, #tpu.memory_space<hbm>>
      %dma_start3A_58 = tpu.memref_squeeze %dma_start3A_57 : memref<1x128x128xf32, #tpu.memory_space<hbm>> -> memref<128x128xf32, #tpu.memory_space<hbm>>
      tpu.enqueue_dma source(%arg5 : memref<128x128xf32, #tpu.memory_space<vmem>>) target(%dma_start3A_58 : memref<128x128xf32, #tpu.memory_space<hbm>>) target_semaphore(%run_scoped3A : memref<!tpu.dma_semaphore, #tpu.memory_space<semaphore_mem>>)
      %dma_wait3A = arith.constant 0 : i32
      %dma_wait3A_59 = tpu.memref_slice %arg3[%arg0, %add3A_53, %dma_wait3A] : memref<2x10240x128xf32, #tpu.memory_space<hbm>> -> memref<1x128x128xf32, #tpu.memory_space<hbm>>
      %dma_wait3A_60 = tpu.memref_squeeze %dma_wait3A_59 : memref<1x128x128xf32, #tpu.memory_space<hbm>> -> memref<128x128xf32, #tpu.memory_space<hbm>>
      %dma_wait3A_61 = arith.constant 0 : i32
      %dma_wait3A_62 = tpu.memref_slice %arg3[%arg0, %add3A_53, %dma_wait3A_61] : memref<2x10240x128xf32, #tpu.memory_space<hbm>> -> memref<1x128x128xf32, #tpu.memory_space<hbm>>
      %dma_wait3A_63 = tpu.memref_squeeze %dma_wait3A_62 : memref<1x128x128xf32, #tpu.memory_space<hbm>> -> memref<128x128xf32, #tpu.memory_space<hbm>>
      tpu.wait_dma2 semaphore(%run_scoped3A : memref<!tpu.dma_semaphore, #tpu.memory_space<semaphore_mem>>) src(%arg5 : memref<128x128xf32, #tpu.memory_space<vmem>>) dst(%dma_wait3A_63 : memref<128x128xf32, #tpu.memory_space<hbm>>)
      tpu.yield
    }) : () -> ()
    return
  }
}

#map = affine_map<(d0, d1) -> (0, 0)>
#map1 = affine_map<(d0, d1) -> (0)>
#map2 = affine_map<(d0, d1) -> (0, 0, 0)>
module attributes {stable_mosaic.version = 14 : i64} {
  func.func @_sc_agg(%arg0: i32, %arg1: i32, %arg2: memref<10240x128xf32, #tpu.memory_space<hbm>>, %arg3: memref<323584xi32, #tpu.memory_space<hbm>>, %arg4: memref<323584xi32, #tpu.memory_space<hbm>>, %arg5: memref<2x10000x128xf32, #tpu.memory_space<hbm>>, %arg6: memref<128xi32, #tpu.memory_space<vmem>>, %arg7: memref<128xi32, #tpu.memory_space<vmem>>, %arg8: memref<128x128xf32, #tpu.memory_space<vmem>>, %arg9: memref<10000x128xf32, #tpu.memory_space<vmem_shared>>, %arg10: memref<!tpu.dma_semaphore, #tpu.memory_space<semaphore_mem>>) attributes {dimension_semantics = [#tpu.dimension_semantics<core_parallel>, #tpu.dimension_semantics<subcore_parallel>], iteration_bounds = array<i64: 2, 16>, scalar_prefetch = 0 : i64, scratch_operands = 5 : i64, tpu.core_type = #tpu.core_type<sc_vector_subcore>, window_params = [{transform_indices = #map}, {transform_indices = #map1}, {transform_indices = #map1}, {transform_indices = #map2}]} {
    %mul3A = arith.constant 2 : i32
    %mul3A_0 = arith.muli %arg1, %mul3A : i32
    %add3A = arith.addi %mul3A_0, %arg0 : i32
    %mul3A_1 = arith.constant 624 : i32
    %mul3A_2 = arith.muli %arg1, %mul3A_1 : i32
    %broadcast_in_dim3A = arith.constant 0.000000e+00 : f32
    %broadcast_in_dim3A_3 = vector.broadcast %broadcast_in_dim3A : f32 to vector<16xf32>
    %scan3A = arith.constant 0 : i32
    %scan3A_4 = arith.constant 0 : i32
    %scan3A_5 = arith.constant 128 : i32
    %scan3A_6 = arith.addi %scan3A_4, %scan3A_5 : i32
    %scan3A_7 = arith.constant 1 : i32
    scf.for %scan3A_53 = %scan3A_4 to %scan3A_6 step %scan3A_7  : i32 {
      %swap3A = arith.index_cast %scan3A_53 : i32 to index
      %swap3A_54 = arith.constant 0 : index
      %swap3A_55 = tpu.vector_load %arg8[%swap3A, %swap3A_54] {strides = array<i32>} : memref<128x128xf32, #tpu.memory_space<vmem>>, vector<1x16xf32>,
      %swap3A_56 = vector.shape_cast %swap3A_55 : vector<1x16xf32> to vector<16xf32>
      %swap3A_57 = vector.shape_cast %broadcast_in_dim3A_3 : vector<16xf32> to vector<1x16xf32>
      tpu.vector_store %arg8[%swap3A, %swap3A_54], %swap3A_57 {strides = array<i32>} : memref<128x128xf32, #tpu.memory_space<vmem>>, vector<1x16xf32>,
      %swap3A_58 = arith.index_cast %scan3A_53 : i32 to index
      %swap3A_59 = arith.constant 16 : index
      %swap3A_60 = tpu.vector_load %arg8[%swap3A_58, %swap3A_59] {strides = array<i32>} : memref<128x128xf32, #tpu.memory_space<vmem>>, vector<1x16xf32>,
      %swap3A_61 = vector.shape_cast %swap3A_60 : vector<1x16xf32> to vector<16xf32>
      %swap3A_62 = vector.shape_cast %broadcast_in_dim3A_3 : vector<16xf32> to vector<1x16xf32>
      tpu.vector_store %arg8[%swap3A_58, %swap3A_59], %swap3A_62 {strides = array<i32>} : memref<128x128xf32, #tpu.memory_space<vmem>>, vector<1x16xf32>,
      %swap3A_63 = arith.index_cast %scan3A_53 : i32 to index
      %swap3A_64 = arith.constant 32 : index
      %swap3A_65 = tpu.vector_load %arg8[%swap3A_63, %swap3A_64] {strides = array<i32>} : memref<128x128xf32, #tpu.memory_space<vmem>>, vector<1x16xf32>,
      %swap3A_66 = vector.shape_cast %swap3A_65 : vector<1x16xf32> to vector<16xf32>
      %swap3A_67 = vector.shape_cast %broadcast_in_dim3A_3 : vector<16xf32> to vector<1x16xf32>
      tpu.vector_store %arg8[%swap3A_63, %swap3A_64], %swap3A_67 {strides = array<i32>} : memref<128x128xf32, #tpu.memory_space<vmem>>, vector<1x16xf32>,
      %swap3A_68 = arith.index_cast %scan3A_53 : i32 to index
      %swap3A_69 = arith.constant 48 : index
      %swap3A_70 = tpu.vector_load %arg8[%swap3A_68, %swap3A_69] {strides = array<i32>} : memref<128x128xf32, #tpu.memory_space<vmem>>, vector<1x16xf32>,
      %swap3A_71 = vector.shape_cast %swap3A_70 : vector<1x16xf32> to vector<16xf32>
      %swap3A_72 = vector.shape_cast %broadcast_in_dim3A_3 : vector<16xf32> to vector<1x16xf32>
      tpu.vector_store %arg8[%swap3A_68, %swap3A_69], %swap3A_72 {strides = array<i32>} : memref<128x128xf32, #tpu.memory_space<vmem>>, vector<1x16xf32>,
      %swap3A_73 = arith.index_cast %scan3A_53 : i32 to index
      %swap3A_74 = arith.constant 64 : index
      %swap3A_75 = tpu.vector_load %arg8[%swap3A_73, %swap3A_74] {strides = array<i32>} : memref<128x128xf32, #tpu.memory_space<vmem>>, vector<1x16xf32>,
      %swap3A_76 = vector.shape_cast %swap3A_75 : vector<1x16xf32> to vector<16xf32>
      %swap3A_77 = vector.shape_cast %broadcast_in_dim3A_3 : vector<16xf32> to vector<1x16xf32>
      tpu.vector_store %arg8[%swap3A_73, %swap3A_74], %swap3A_77 {strides = array<i32>} : memref<128x128xf32, #tpu.memory_space<vmem>>, vector<1x16xf32>,
      %swap3A_78 = arith.index_cast %scan3A_53 : i32 to index
      %swap3A_79 = arith.constant 80 : index
      %swap3A_80 = tpu.vector_load %arg8[%swap3A_78, %swap3A_79] {strides = array<i32>} : memref<128x128xf32, #tpu.memory_space<vmem>>, vector<1x16xf32>,
      %swap3A_81 = vector.shape_cast %swap3A_80 : vector<1x16xf32> to vector<16xf32>
      %swap3A_82 = vector.shape_cast %broadcast_in_dim3A_3 : vector<16xf32> to vector<1x16xf32>
      tpu.vector_store %arg8[%swap3A_78, %swap3A_79], %swap3A_82 {strides = array<i32>} : memref<128x128xf32, #tpu.memory_space<vmem>>, vector<1x16xf32>,
      %swap3A_83 = arith.index_cast %scan3A_53 : i32 to index
      %swap3A_84 = arith.constant 96 : index
      %swap3A_85 = tpu.vector_load %arg8[%swap3A_83, %swap3A_84] {strides = array<i32>} : memref<128x128xf32, #tpu.memory_space<vmem>>, vector<1x16xf32>,
      %swap3A_86 = vector.shape_cast %swap3A_85 : vector<1x16xf32> to vector<16xf32>
      %swap3A_87 = vector.shape_cast %broadcast_in_dim3A_3 : vector<16xf32> to vector<1x16xf32>
      tpu.vector_store %arg8[%swap3A_83, %swap3A_84], %swap3A_87 {strides = array<i32>} : memref<128x128xf32, #tpu.memory_space<vmem>>, vector<1x16xf32>,
      %swap3A_88 = arith.index_cast %scan3A_53 : i32 to index
      %swap3A_89 = arith.constant 112 : index
      %swap3A_90 = tpu.vector_load %arg8[%swap3A_88, %swap3A_89] {strides = array<i32>} : memref<128x128xf32, #tpu.memory_space<vmem>>, vector<1x16xf32>,
      %swap3A_91 = vector.shape_cast %swap3A_90 : vector<1x16xf32> to vector<16xf32>
      %swap3A_92 = vector.shape_cast %broadcast_in_dim3A_3 : vector<16xf32> to vector<1x16xf32>
      tpu.vector_store %arg8[%swap3A_88, %swap3A_89], %swap3A_92 {strides = array<i32>} : memref<128x128xf32, #tpu.memory_space<vmem>>, vector<1x16xf32>,
    }
    %scan3A_8 = arith.constant 128 : i32
    %add3A_9 = arith.constant 0 : i32
    %add3A_10 = arith.addi %mul3A_2, %add3A_9 : i32
    "tpu.region"() ({
      %run_scoped3A = tpu.sem_alloc : memref<!tpu.dma_semaphore, #tpu.memory_space<semaphore_mem>>
      %dma_start3A = arith.constant 0 : i32
      %dma_start3A_53 = arith.constant 0 : i32
      %dma_start3A_54 = tpu.memref_slice %arg8[%dma_start3A, %dma_start3A_53] : memref<128x128xf32, #tpu.memory_space<vmem>> -> memref<128x128xf32, #tpu.memory_space<vmem>>
      %dma_start3A_55 = arith.constant 0 : i32
      %dma_start3A_56 = tpu.memref_slice %arg9[%add3A_10, %dma_start3A_55] : memref<10000x128xf32, #tpu.memory_space<vmem_shared>> -> memref<128x128xf32, #tpu.memory_space<vmem_shared>>
      %dma_start3A_57 = arith.constant 0 : i32
      %dma_start3A_58 = tpu.memref_slice %arg9[%add3A_10, %dma_start3A_57] : memref<10000x128xf32, #tpu.memory_space<vmem_shared>> -> memref<128x128xf32, #tpu.memory_space<vmem_shared>>
      %dma_start3A_59 = arith.constant 0 : i32
      %dma_start3A_60 = arith.constant 0 : i32
      %dma_start3A_61 = tpu.memref_slice %arg8[%dma_start3A_59, %dma_start3A_60] : memref<128x128xf32, #tpu.memory_space<vmem>> -> memref<128x128xf32, #tpu.memory_space<vmem>>
      tpu.enqueue_dma source(%dma_start3A_61 : memref<128x128xf32, #tpu.memory_space<vmem>>) target(%dma_start3A_58 : memref<128x128xf32, #tpu.memory_space<vmem_shared>>) target_semaphore(%run_scoped3A : memref<!tpu.dma_semaphore, #tpu.memory_space<semaphore_mem>>)
      %dma_wait3A = arith.constant 0 : i32
      %dma_wait3A_62 = arith.constant 0 : i32
      %dma_wait3A_63 = tpu.memref_slice %arg8[%dma_wait3A, %dma_wait3A_62] : memref<128x128xf32, #tpu.memory_space<vmem>> -> memref<128x128xf32, #tpu.memory_space<vmem>>
      %dma_wait3A_64 = arith.constant 0 : i32
      %dma_wait3A_65 = tpu.memref_slice %arg9[%add3A_10, %dma_wait3A_64] : memref<10000x128xf32, #tpu.memory_space<vmem_shared>> -> memref<128x128xf32, #tpu.memory_space<vmem_shared>>
      %dma_wait3A_66 = arith.constant 0 : i32
      %dma_wait3A_67 = tpu.memref_slice %arg9[%add3A_10, %dma_wait3A_66] : memref<10000x128xf32, #tpu.memory_space<vmem_shared>> -> memref<128x128xf32, #tpu.memory_space<vmem_shared>>
      %dma_wait3A_68 = arith.constant 0 : i32
      %dma_wait3A_69 = arith.constant 0 : i32
      %dma_wait3A_70 = tpu.memref_slice %arg8[%dma_wait3A_68, %dma_wait3A_69] : memref<128x128xf32, #tpu.memory_space<vmem>> -> memref<128x128xf32, #tpu.memory_space<vmem>>
      tpu.wait_dma2 semaphore(%run_scoped3A : memref<!tpu.dma_semaphore, #tpu.memory_space<semaphore_mem>>) src(%dma_wait3A_70 : memref<128x128xf32, #tpu.memory_space<vmem>>) dst(%dma_wait3A_67 : memref<128x128xf32, #tpu.memory_space<vmem_shared>>)
      tpu.yield
    }) : () -> ()
    %add3A_11 = arith.constant 128 : i32
    %add3A_12 = arith.addi %mul3A_2, %add3A_11 : i32
    "tpu.region"() ({
      %run_scoped3A = tpu.sem_alloc : memref<!tpu.dma_semaphore, #tpu.memory_space<semaphore_mem>>
      %dma_start3A = arith.constant 0 : i32
      %dma_start3A_53 = arith.constant 0 : i32
      %dma_start3A_54 = tpu.memref_slice %arg8[%dma_start3A, %dma_start3A_53] : memref<128x128xf32, #tpu.memory_space<vmem>> -> memref<128x128xf32, #tpu.memory_space<vmem>>
      %dma_start3A_55 = arith.constant 0 : i32
      %dma_start3A_56 = tpu.memref_slice %arg9[%add3A_12, %dma_start3A_55] : memref<10000x128xf32, #tpu.memory_space<vmem_shared>> -> memref<128x128xf32, #tpu.memory_space<vmem_shared>>
      %dma_start3A_57 = arith.constant 0 : i32
      %dma_start3A_58 = tpu.memref_slice %arg9[%add3A_12, %dma_start3A_57] : memref<10000x128xf32, #tpu.memory_space<vmem_shared>> -> memref<128x128xf32, #tpu.memory_space<vmem_shared>>
      %dma_start3A_59 = arith.constant 0 : i32
      %dma_start3A_60 = arith.constant 0 : i32
      %dma_start3A_61 = tpu.memref_slice %arg8[%dma_start3A_59, %dma_start3A_60] : memref<128x128xf32, #tpu.memory_space<vmem>> -> memref<128x128xf32, #tpu.memory_space<vmem>>
      tpu.enqueue_dma source(%dma_start3A_61 : memref<128x128xf32, #tpu.memory_space<vmem>>) target(%dma_start3A_58 : memref<128x128xf32, #tpu.memory_space<vmem_shared>>) target_semaphore(%run_scoped3A : memref<!tpu.dma_semaphore, #tpu.memory_space<semaphore_mem>>)
      %dma_wait3A = arith.constant 0 : i32
      %dma_wait3A_62 = arith.constant 0 : i32
      %dma_wait3A_63 = tpu.memref_slice %arg8[%dma_wait3A, %dma_wait3A_62] : memref<128x128xf32, #tpu.memory_space<vmem>> -> memref<128x128xf32, #tpu.memory_space<vmem>>
      %dma_wait3A_64 = arith.constant 0 : i32
      %dma_wait3A_65 = tpu.memref_slice %arg9[%add3A_12, %dma_wait3A_64] : memref<10000x128xf32, #tpu.memory_space<vmem_shared>> -> memref<128x128xf32, #tpu.memory_space<vmem_shared>>
      %dma_wait3A_66 = arith.constant 0 : i32
      %dma_wait3A_67 = tpu.memref_slice %arg9[%add3A_12, %dma_wait3A_66] : memref<10000x128xf32, #tpu.memory_space<vmem_shared>> -> memref<128x128xf32, #tpu.memory_space<vmem_shared>>
      %dma_wait3A_68 = arith.constant 0 : i32
      %dma_wait3A_69 = arith.constant 0 : i32
      %dma_wait3A_70 = tpu.memref_slice %arg8[%dma_wait3A_68, %dma_wait3A_69] : memref<128x128xf32, #tpu.memory_space<vmem>> -> memref<128x128xf32, #tpu.memory_space<vmem>>
      tpu.wait_dma2 semaphore(%run_scoped3A : memref<!tpu.dma_semaphore, #tpu.memory_space<semaphore_mem>>) src(%dma_wait3A_70 : memref<128x128xf32, #tpu.memory_space<vmem>>) dst(%dma_wait3A_67 : memref<128x128xf32, #tpu.memory_space<vmem_shared>>)
      tpu.yield
    }) : () -> ()
    %add3A_13 = arith.constant 256 : i32
    %add3A_14 = arith.addi %mul3A_2, %add3A_13 : i32
    "tpu.region"() ({
      %run_scoped3A = tpu.sem_alloc : memref<!tpu.dma_semaphore, #tpu.memory_space<semaphore_mem>>
      %dma_start3A = arith.constant 0 : i32
      %dma_start3A_53 = arith.constant 0 : i32
      %dma_start3A_54 = tpu.memref_slice %arg8[%dma_start3A, %dma_start3A_53] : memref<128x128xf32, #tpu.memory_space<vmem>> -> memref<128x128xf32, #tpu.memory_space<vmem>>
      %dma_start3A_55 = arith.constant 0 : i32
      %dma_start3A_56 = tpu.memref_slice %arg9[%add3A_14, %dma_start3A_55] : memref<10000x128xf32, #tpu.memory_space<vmem_shared>> -> memref<128x128xf32, #tpu.memory_space<vmem_shared>>
      %dma_start3A_57 = arith.constant 0 : i32
      %dma_start3A_58 = tpu.memref_slice %arg9[%add3A_14, %dma_start3A_57] : memref<10000x128xf32, #tpu.memory_space<vmem_shared>> -> memref<128x128xf32, #tpu.memory_space<vmem_shared>>
      %dma_start3A_59 = arith.constant 0 : i32
      %dma_start3A_60 = arith.constant 0 : i32
      %dma_start3A_61 = tpu.memref_slice %arg8[%dma_start3A_59, %dma_start3A_60] : memref<128x128xf32, #tpu.memory_space<vmem>> -> memref<128x128xf32, #tpu.memory_space<vmem>>
      tpu.enqueue_dma source(%dma_start3A_61 : memref<128x128xf32, #tpu.memory_space<vmem>>) target(%dma_start3A_58 : memref<128x128xf32, #tpu.memory_space<vmem_shared>>) target_semaphore(%run_scoped3A : memref<!tpu.dma_semaphore, #tpu.memory_space<semaphore_mem>>)
      %dma_wait3A = arith.constant 0 : i32
      %dma_wait3A_62 = arith.constant 0 : i32
      %dma_wait3A_63 = tpu.memref_slice %arg8[%dma_wait3A, %dma_wait3A_62] : memref<128x128xf32, #tpu.memory_space<vmem>> -> memref<128x128xf32, #tpu.memory_space<vmem>>
      %dma_wait3A_64 = arith.constant 0 : i32
      %dma_wait3A_65 = tpu.memref_slice %arg9[%add3A_14, %dma_wait3A_64] : memref<10000x128xf32, #tpu.memory_space<vmem_shared>> -> memref<128x128xf32, #tpu.memory_space<vmem_shared>>
      %dma_wait3A_66 = arith.constant 0 : i32
      %dma_wait3A_67 = tpu.memref_slice %arg9[%add3A_14, %dma_wait3A_66] : memref<10000x128xf32, #tpu.memory_space<vmem_shared>> -> memref<128x128xf32, #tpu.memory_space<vmem_shared>>
      %dma_wait3A_68 = arith.constant 0 : i32
      %dma_wait3A_69 = arith.constant 0 : i32
      %dma_wait3A_70 = tpu.memref_slice %arg8[%dma_wait3A_68, %dma_wait3A_69] : memref<128x128xf32, #tpu.memory_space<vmem>> -> memref<128x128xf32, #tpu.memory_space<vmem>>
      tpu.wait_dma2 semaphore(%run_scoped3A : memref<!tpu.dma_semaphore, #tpu.memory_space<semaphore_mem>>) src(%dma_wait3A_70 : memref<128x128xf32, #tpu.memory_space<vmem>>) dst(%dma_wait3A_67 : memref<128x128xf32, #tpu.memory_space<vmem_shared>>)
      tpu.yield
    }) : () -> ()
    %add3A_15 = arith.constant 384 : i32
    %add3A_16 = arith.addi %mul3A_2, %add3A_15 : i32
    "tpu.region"() ({
      %run_scoped3A = tpu.sem_alloc : memref<!tpu.dma_semaphore, #tpu.memory_space<semaphore_mem>>
      %dma_start3A = arith.constant 0 : i32
      %dma_start3A_53 = arith.constant 0 : i32
      %dma_start3A_54 = tpu.memref_slice %arg8[%dma_start3A, %dma_start3A_53] : memref<128x128xf32, #tpu.memory_space<vmem>> -> memref<128x128xf32, #tpu.memory_space<vmem>>
      %dma_start3A_55 = arith.constant 0 : i32
      %dma_start3A_56 = tpu.memref_slice %arg9[%add3A_16, %dma_start3A_55] : memref<10000x128xf32, #tpu.memory_space<vmem_shared>> -> memref<128x128xf32, #tpu.memory_space<vmem_shared>>
      %dma_start3A_57 = arith.constant 0 : i32
      %dma_start3A_58 = tpu.memref_slice %arg9[%add3A_16, %dma_start3A_57] : memref<10000x128xf32, #tpu.memory_space<vmem_shared>> -> memref<128x128xf32, #tpu.memory_space<vmem_shared>>
      %dma_start3A_59 = arith.constant 0 : i32
      %dma_start3A_60 = arith.constant 0 : i32
      %dma_start3A_61 = tpu.memref_slice %arg8[%dma_start3A_59, %dma_start3A_60] : memref<128x128xf32, #tpu.memory_space<vmem>> -> memref<128x128xf32, #tpu.memory_space<vmem>>
      tpu.enqueue_dma source(%dma_start3A_61 : memref<128x128xf32, #tpu.memory_space<vmem>>) target(%dma_start3A_58 : memref<128x128xf32, #tpu.memory_space<vmem_shared>>) target_semaphore(%run_scoped3A : memref<!tpu.dma_semaphore, #tpu.memory_space<semaphore_mem>>)
      %dma_wait3A = arith.constant 0 : i32
      %dma_wait3A_62 = arith.constant 0 : i32
      %dma_wait3A_63 = tpu.memref_slice %arg8[%dma_wait3A, %dma_wait3A_62] : memref<128x128xf32, #tpu.memory_space<vmem>> -> memref<128x128xf32, #tpu.memory_space<vmem>>
      %dma_wait3A_64 = arith.constant 0 : i32
      %dma_wait3A_65 = tpu.memref_slice %arg9[%add3A_16, %dma_wait3A_64] : memref<10000x128xf32, #tpu.memory_space<vmem_shared>> -> memref<128x128xf32, #tpu.memory_space<vmem_shared>>
      %dma_wait3A_66 = arith.constant 0 : i32
      %dma_wait3A_67 = tpu.memref_slice %arg9[%add3A_16, %dma_wait3A_66] : memref<10000x128xf32, #tpu.memory_space<vmem_shared>> -> memref<128x128xf32, #tpu.memory_space<vmem_shared>>
      %dma_wait3A_68 = arith.constant 0 : i32
      %dma_wait3A_69 = arith.constant 0 : i32
      %dma_wait3A_70 = tpu.memref_slice %arg8[%dma_wait3A_68, %dma_wait3A_69] : memref<128x128xf32, #tpu.memory_space<vmem>> -> memref<128x128xf32, #tpu.memory_space<vmem>>
      tpu.wait_dma2 semaphore(%run_scoped3A : memref<!tpu.dma_semaphore, #tpu.memory_space<semaphore_mem>>) src(%dma_wait3A_70 : memref<128x128xf32, #tpu.memory_space<vmem>>) dst(%dma_wait3A_67 : memref<128x128xf32, #tpu.memory_space<vmem_shared>>)
      tpu.yield
    }) : () -> ()
    %add3A_17 = arith.constant 512 : i32
    %add3A_18 = arith.addi %mul3A_2, %add3A_17 : i32
    "tpu.region"() ({
      %run_scoped3A = tpu.sem_alloc : memref<!tpu.dma_semaphore, #tpu.memory_space<semaphore_mem>>
      %dma_start3A = arith.constant 0 : i32
      %dma_start3A_53 = arith.constant 0 : i32
      %dma_start3A_54 = tpu.memref_slice %arg8[%dma_start3A, %dma_start3A_53] : memref<128x128xf32, #tpu.memory_space<vmem>> -> memref<112x128xf32, #tpu.memory_space<vmem>>
      %dma_start3A_55 = arith.constant 0 : i32
      %dma_start3A_56 = tpu.memref_slice %arg9[%add3A_18, %dma_start3A_55] : memref<10000x128xf32, #tpu.memory_space<vmem_shared>> -> memref<112x128xf32, #tpu.memory_space<vmem_shared>>
      %dma_start3A_57 = arith.constant 0 : i32
      %dma_start3A_58 = tpu.memref_slice %arg9[%add3A_18, %dma_start3A_57] : memref<10000x128xf32, #tpu.memory_space<vmem_shared>> -> memref<112x128xf32, #tpu.memory_space<vmem_shared>>
      %dma_start3A_59 = arith.constant 0 : i32
      %dma_start3A_60 = arith.constant 0 : i32
      %dma_start3A_61 = tpu.memref_slice %arg8[%dma_start3A_59, %dma_start3A_60] : memref<128x128xf32, #tpu.memory_space<vmem>> -> memref<112x128xf32, #tpu.memory_space<vmem>>
      tpu.enqueue_dma source(%dma_start3A_61 : memref<112x128xf32, #tpu.memory_space<vmem>>) target(%dma_start3A_58 : memref<112x128xf32, #tpu.memory_space<vmem_shared>>) target_semaphore(%run_scoped3A : memref<!tpu.dma_semaphore, #tpu.memory_space<semaphore_mem>>)
      %dma_wait3A = arith.constant 0 : i32
      %dma_wait3A_62 = arith.constant 0 : i32
      %dma_wait3A_63 = tpu.memref_slice %arg8[%dma_wait3A, %dma_wait3A_62] : memref<128x128xf32, #tpu.memory_space<vmem>> -> memref<112x128xf32, #tpu.memory_space<vmem>>
      %dma_wait3A_64 = arith.constant 0 : i32
      %dma_wait3A_65 = tpu.memref_slice %arg9[%add3A_18, %dma_wait3A_64] : memref<10000x128xf32, #tpu.memory_space<vmem_shared>> -> memref<112x128xf32, #tpu.memory_space<vmem_shared>>
      %dma_wait3A_66 = arith.constant 0 : i32
      %dma_wait3A_67 = tpu.memref_slice %arg9[%add3A_18, %dma_wait3A_66] : memref<10000x128xf32, #tpu.memory_space<vmem_shared>> -> memref<112x128xf32, #tpu.memory_space<vmem_shared>>
      %dma_wait3A_68 = arith.constant 0 : i32
      %dma_wait3A_69 = arith.constant 0 : i32
      %dma_wait3A_70 = tpu.memref_slice %arg8[%dma_wait3A_68, %dma_wait3A_69] : memref<128x128xf32, #tpu.memory_space<vmem>> -> memref<112x128xf32, #tpu.memory_space<vmem>>
      tpu.wait_dma2 semaphore(%run_scoped3A : memref<!tpu.dma_semaphore, #tpu.memory_space<semaphore_mem>>) src(%dma_wait3A_70 : memref<112x128xf32, #tpu.memory_space<vmem>>) dst(%dma_wait3A_67 : memref<112x128xf32, #tpu.memory_space<vmem_shared>>)
      tpu.yield
    }) : () -> ()
    %eq3A = arith.constant 15 : i32
    %eq3A_19 = arith.cmpi eq, %arg1, %eq3A : i32
    %convert_element_type3A = arith.extui %eq3A_19 : i1 to i32
    %cond3A = arith.constant 0 : i32
    %cond3A_20 = arith.cmpi ne, %convert_element_type3A, %cond3A : i32
    scf.if %cond3A_20 {
      "tpu.region"() ({
        %run_scoped3A = tpu.sem_alloc : memref<!tpu.dma_semaphore, #tpu.memory_space<semaphore_mem>>
        %dma_start3A = arith.constant 0 : i32
        %dma_start3A_53 = arith.constant 0 : i32
        %dma_start3A_54 = tpu.memref_slice %arg8[%dma_start3A, %dma_start3A_53] : memref<128x128xf32, #tpu.memory_space<vmem>> -> memref<16x128xf32, #tpu.memory_space<vmem>>
        %dma_start3A_55 = arith.constant 9984 : i32
        %dma_start3A_56 = arith.constant 0 : i32
        %dma_start3A_57 = tpu.memref_slice %arg9[%dma_start3A_55, %dma_start3A_56] : memref<10000x128xf32, #tpu.memory_space<vmem_shared>> -> memref<16x128xf32, #tpu.memory_space<vmem_shared>>
        %dma_start3A_58 = arith.constant 9984 : i32
        %dma_start3A_59 = arith.constant 0 : i32
        %dma_start3A_60 = tpu.memref_slice %arg9[%dma_start3A_58, %dma_start3A_59] : memref<10000x128xf32, #tpu.memory_space<vmem_shared>> -> memref<16x128xf32, #tpu.memory_space<vmem_shared>>
        %dma_start3A_61 = arith.constant 0 : i32
        %dma_start3A_62 = arith.constant 0 : i32
        %dma_start3A_63 = tpu.memref_slice %arg8[%dma_start3A_61, %dma_start3A_62] : memref<128x128xf32, #tpu.memory_space<vmem>> -> memref<16x128xf32, #tpu.memory_space<vmem>>
        tpu.enqueue_dma source(%dma_start3A_63 : memref<16x128xf32, #tpu.memory_space<vmem>>) target(%dma_start3A_60 : memref<16x128xf32, #tpu.memory_space<vmem_shared>>) target_semaphore(%run_scoped3A : memref<!tpu.dma_semaphore, #tpu.memory_space<semaphore_mem>>)
        %dma_wait3A = arith.constant 0 : i32
        %dma_wait3A_64 = arith.constant 0 : i32
        %dma_wait3A_65 = tpu.memref_slice %arg8[%dma_wait3A, %dma_wait3A_64] : memref<128x128xf32, #tpu.memory_space<vmem>> -> memref<16x128xf32, #tpu.memory_space<vmem>>
        %dma_wait3A_66 = arith.constant 9984 : i32
        %dma_wait3A_67 = arith.constant 0 : i32
        %dma_wait3A_68 = tpu.memref_slice %arg9[%dma_wait3A_66, %dma_wait3A_67] : memref<10000x128xf32, #tpu.memory_space<vmem_shared>> -> memref<16x128xf32, #tpu.memory_space<vmem_shared>>
        %dma_wait3A_69 = arith.constant 9984 : i32
        %dma_wait3A_70 = arith.constant 0 : i32
        %dma_wait3A_71 = tpu.memref_slice %arg9[%dma_wait3A_69, %dma_wait3A_70] : memref<10000x128xf32, #tpu.memory_space<vmem_shared>> -> memref<16x128xf32, #tpu.memory_space<vmem_shared>>
        %dma_wait3A_72 = arith.constant 0 : i32
        %dma_wait3A_73 = arith.constant 0 : i32
        %dma_wait3A_74 = tpu.memref_slice %arg8[%dma_wait3A_72, %dma_wait3A_73] : memref<128x128xf32, #tpu.memory_space<vmem>> -> memref<16x128xf32, #tpu.memory_space<vmem>>
        tpu.wait_dma2 semaphore(%run_scoped3A : memref<!tpu.dma_semaphore, #tpu.memory_space<semaphore_mem>>) src(%dma_wait3A_74 : memref<16x128xf32, #tpu.memory_space<vmem>>) dst(%dma_wait3A_71 : memref<16x128xf32, #tpu.memory_space<vmem_shared>>)
        tpu.yield
      }) : () -> ()
    } else {
    }
    %barrier3A = arith.constant 0 : index
    tpu.barrier barrier_id(%barrier3A)
    %scan3A_21 = arith.constant 0 : i32
    %scan3A_22 = arith.constant 0 : i32
    %scan3A_23 = arith.constant 79 : i32
    %scan3A_24 = arith.addi %scan3A_22, %scan3A_23 : i32
    %scan3A_25 = arith.constant 1 : i32
    scf.for %scan3A_53 = %scan3A_22 to %scan3A_24 step %scan3A_25  : i32 {
      %mul3A_54 = arith.constant 10112 : i32
      %mul3A_55 = arith.muli %add3A, %mul3A_54 : i32
      %mul3A_56 = arith.constant 128 : i32
      %mul3A_57 = arith.muli %scan3A_53, %mul3A_56 : i32
      %add3A_58 = arith.addi %mul3A_55, %mul3A_57 : i32
      "tpu.region"() ({
        %run_scoped3A = tpu.sem_alloc : memref<!tpu.dma_semaphore, #tpu.memory_space<semaphore_mem>>
        %dma_start3A_63 = tpu.memref_slice %arg3[%add3A_58] : memref<323584xi32, #tpu.memory_space<hbm>> -> memref<128xi32, #tpu.memory_space<hbm>>
        %dma_start3A_64 = tpu.memref_slice %arg3[%add3A_58] : memref<323584xi32, #tpu.memory_space<hbm>> -> memref<128xi32, #tpu.memory_space<hbm>>
        tpu.enqueue_dma source(%dma_start3A_64 : memref<128xi32, #tpu.memory_space<hbm>>) target(%arg6 : memref<128xi32, #tpu.memory_space<vmem>>) target_semaphore(%run_scoped3A : memref<!tpu.dma_semaphore, #tpu.memory_space<semaphore_mem>>)
        %dma_wait3A_65 = tpu.memref_slice %arg3[%add3A_58] : memref<323584xi32, #tpu.memory_space<hbm>> -> memref<128xi32, #tpu.memory_space<hbm>>
        %dma_wait3A_66 = tpu.memref_slice %arg3[%add3A_58] : memref<323584xi32, #tpu.memory_space<hbm>> -> memref<128xi32, #tpu.memory_space<hbm>>
        tpu.wait_dma2 semaphore(%run_scoped3A : memref<!tpu.dma_semaphore, #tpu.memory_space<semaphore_mem>>) src(%dma_wait3A_66 : memref<128xi32, #tpu.memory_space<hbm>>) dst(%arg6 : memref<128xi32, #tpu.memory_space<vmem>>)
        tpu.yield
      }) : () -> ()
      "tpu.region"() ({
        %run_scoped3A = tpu.sem_alloc : memref<!tpu.dma_semaphore, #tpu.memory_space<semaphore_mem>>
        %dma_start3A_63 = tpu.memref_slice %arg4[%add3A_58] : memref<323584xi32, #tpu.memory_space<hbm>> -> memref<128xi32, #tpu.memory_space<hbm>>
        %dma_start3A_64 = tpu.memref_slice %arg4[%add3A_58] : memref<323584xi32, #tpu.memory_space<hbm>> -> memref<128xi32, #tpu.memory_space<hbm>>
        tpu.enqueue_dma source(%dma_start3A_64 : memref<128xi32, #tpu.memory_space<hbm>>) target(%arg7 : memref<128xi32, #tpu.memory_space<vmem>>) target_semaphore(%run_scoped3A : memref<!tpu.dma_semaphore, #tpu.memory_space<semaphore_mem>>)
        %dma_wait3A_65 = tpu.memref_slice %arg4[%add3A_58] : memref<323584xi32, #tpu.memory_space<hbm>> -> memref<128xi32, #tpu.memory_space<hbm>>
        %dma_wait3A_66 = tpu.memref_slice %arg4[%add3A_58] : memref<323584xi32, #tpu.memory_space<hbm>> -> memref<128xi32, #tpu.memory_space<hbm>>
        tpu.wait_dma2 semaphore(%run_scoped3A : memref<!tpu.dma_semaphore, #tpu.memory_space<semaphore_mem>>) src(%dma_wait3A_66 : memref<128xi32, #tpu.memory_space<hbm>>) dst(%arg7 : memref<128xi32, #tpu.memory_space<vmem>>)
        tpu.yield
      }) : () -> ()
      %dma_start3A = arith.constant 0 : i32
      %dma_start3A_59 = arith.constant 0 : i32
      %dma_start3A_60 = tpu.memref_slice %arg2[%dma_start3A, %dma_start3A_59] : memref<10240x128xf32, #tpu.memory_space<hbm>> -> memref<10240x128xf32, #tpu.memory_space<hbm>>
      tpu.enqueue_indirect_dma source(%dma_start3A_60 : memref<10240x128xf32, #tpu.memory_space<hbm>>) target(%arg8 : memref<128x128xf32, #tpu.memory_space<vmem>>) offsets(%arg6 : memref<128xi32, #tpu.memory_space<vmem>>) semaphore(%arg10 : memref<!tpu.dma_semaphore, #tpu.memory_space<semaphore_mem>>)
      %dma_wait3A = arith.constant 0 : i32
      %dma_wait3A_61 = arith.constant 0 : i32
      %dma_wait3A_62 = tpu.memref_slice %arg2[%dma_wait3A, %dma_wait3A_61] : memref<10240x128xf32, #tpu.memory_space<hbm>> -> memref<10240x128xf32, #tpu.memory_space<hbm>>
      tpu.wait_indirect_dma semaphore(%arg10 : memref<!tpu.dma_semaphore, #tpu.memory_space<semaphore_mem>>) src(%dma_wait3A_62 : memref<10240x128xf32, #tpu.memory_space<hbm>>) dst(%arg8 : memref<128x128xf32, #tpu.memory_space<vmem>>)
      "tpu.region"() ({
        %run_scoped3A = tpu.sem_alloc : memref<!tpu.dma_semaphore, #tpu.memory_space<semaphore_mem>>
        %dma_start3A_63 = arith.constant 0 : i32
        %dma_start3A_64 = arith.constant 0 : i32
        %dma_start3A_65 = tpu.memref_slice %arg9[%dma_start3A_63, %dma_start3A_64] : memref<10000x128xf32, #tpu.memory_space<vmem_shared>> -> memref<10000x128xf32, #tpu.memory_space<vmem_shared>>
        tpu.enqueue_indirect_dma source(%arg8 : memref<128x128xf32, #tpu.memory_space<vmem>>) target(%dma_start3A_65 : memref<10000x128xf32, #tpu.memory_space<vmem_shared>>) offsets(%arg7 : memref<128xi32, #tpu.memory_space<vmem>>) semaphore(%run_scoped3A : memref<!tpu.dma_semaphore, #tpu.memory_space<semaphore_mem>>) {add = true}
        %dma_wait3A_66 = arith.constant 0 : i32
        %dma_wait3A_67 = arith.constant 0 : i32
        %dma_wait3A_68 = tpu.memref_slice %arg9[%dma_wait3A_66, %dma_wait3A_67] : memref<10000x128xf32, #tpu.memory_space<vmem_shared>> -> memref<10000x128xf32, #tpu.memory_space<vmem_shared>>
        tpu.wait_indirect_dma semaphore(%run_scoped3A : memref<!tpu.dma_semaphore, #tpu.memory_space<semaphore_mem>>) src(%arg8 : memref<128x128xf32, #tpu.memory_space<vmem>>) dst(%dma_wait3A_68 : memref<10000x128xf32, #tpu.memory_space<vmem_shared>>)
        tpu.yield
      }) : () -> ()
    }
    %scan3A_26 = arith.constant 79 : i32
    %barrier3A_27 = arith.constant 0 : index
    tpu.barrier barrier_id(%barrier3A_27)
    %add3A_28 = arith.constant 0 : i32
    %add3A_29 = arith.addi %mul3A_2, %add3A_28 : i32
    "tpu.region"() ({
      %run_scoped3A = tpu.sem_alloc : memref<!tpu.dma_semaphore, #tpu.memory_space<semaphore_mem>>
      %dma_start3A = arith.constant 0 : i32
      %dma_start3A_53 = arith.constant 0 : i32
      %dma_start3A_54 = tpu.memref_slice %arg8[%dma_start3A, %dma_start3A_53] : memref<128x128xf32, #tpu.memory_space<vmem>> -> memref<128x128xf32, #tpu.memory_space<vmem>>
      %dma_start3A_55 = arith.constant 0 : i32
      %dma_start3A_56 = tpu.memref_slice %arg9[%add3A_29, %dma_start3A_55] : memref<10000x128xf32, #tpu.memory_space<vmem_shared>> -> memref<128x128xf32, #tpu.memory_space<vmem_shared>>
      %dma_start3A_57 = arith.constant 0 : i32
      %dma_start3A_58 = arith.constant 0 : i32
      %dma_start3A_59 = tpu.memref_slice %arg8[%dma_start3A_57, %dma_start3A_58] : memref<128x128xf32, #tpu.memory_space<vmem>> -> memref<128x128xf32, #tpu.memory_space<vmem>>
      %dma_start3A_60 = arith.constant 0 : i32
      %dma_start3A_61 = tpu.memref_slice %arg9[%add3A_29, %dma_start3A_60] : memref<10000x128xf32, #tpu.memory_space<vmem_shared>> -> memref<128x128xf32, #tpu.memory_space<vmem_shared>>
      tpu.enqueue_dma source(%dma_start3A_61 : memref<128x128xf32, #tpu.memory_space<vmem_shared>>) target(%dma_start3A_59 : memref<128x128xf32, #tpu.memory_space<vmem>>) target_semaphore(%run_scoped3A : memref<!tpu.dma_semaphore, #tpu.memory_space<semaphore_mem>>)
      %dma_wait3A = arith.constant 0 : i32
      %dma_wait3A_62 = arith.constant 0 : i32
      %dma_wait3A_63 = tpu.memref_slice %arg8[%dma_wait3A, %dma_wait3A_62] : memref<128x128xf32, #tpu.memory_space<vmem>> -> memref<128x128xf32, #tpu.memory_space<vmem>>
      %dma_wait3A_64 = arith.constant 0 : i32
      %dma_wait3A_65 = tpu.memref_slice %arg9[%add3A_29, %dma_wait3A_64] : memref<10000x128xf32, #tpu.memory_space<vmem_shared>> -> memref<128x128xf32, #tpu.memory_space<vmem_shared>>
      %dma_wait3A_66 = arith.constant 0 : i32
      %dma_wait3A_67 = arith.constant 0 : i32
      %dma_wait3A_68 = tpu.memref_slice %arg8[%dma_wait3A_66, %dma_wait3A_67] : memref<128x128xf32, #tpu.memory_space<vmem>> -> memref<128x128xf32, #tpu.memory_space<vmem>>
      %dma_wait3A_69 = arith.constant 0 : i32
      %dma_wait3A_70 = tpu.memref_slice %arg9[%add3A_29, %dma_wait3A_69] : memref<10000x128xf32, #tpu.memory_space<vmem_shared>> -> memref<128x128xf32, #tpu.memory_space<vmem_shared>>
      tpu.wait_dma2 semaphore(%run_scoped3A : memref<!tpu.dma_semaphore, #tpu.memory_space<semaphore_mem>>) src(%dma_wait3A_70 : memref<128x128xf32, #tpu.memory_space<vmem_shared>>) dst(%dma_wait3A_68 : memref<128x128xf32, #tpu.memory_space<vmem>>)
      tpu.yield
    }) : () -> ()
    %add3A_30 = arith.constant 0 : i32
    %add3A_31 = arith.addi %mul3A_2, %add3A_30 : i32
    "tpu.region"() ({
      %run_scoped3A = tpu.sem_alloc : memref<!tpu.dma_semaphore, #tpu.memory_space<semaphore_mem>>
      %dma_start3A = arith.constant 0 : i32
      %dma_start3A_53 = arith.constant 0 : i32
      %dma_start3A_54 = tpu.memref_slice %arg8[%dma_start3A, %dma_start3A_53] : memref<128x128xf32, #tpu.memory_space<vmem>> -> memref<128x128xf32, #tpu.memory_space<vmem>>
      %dma_start3A_55 = arith.constant 0 : i32
      %dma_start3A_56 = tpu.memref_slice %arg5[%arg0, %add3A_31, %dma_start3A_55] : memref<2x10000x128xf32, #tpu.memory_space<hbm>> -> memref<1x128x128xf32, #tpu.memory_space<hbm>>
      %dma_start3A_57 = tpu.memref_squeeze %dma_start3A_56 : memref<1x128x128xf32, #tpu.memory_space<hbm>> -> memref<128x128xf32, #tpu.memory_space<hbm>>
      %dma_start3A_58 = arith.constant 0 : i32
      %dma_start3A_59 = tpu.memref_slice %arg5[%arg0, %add3A_31, %dma_start3A_58] : memref<2x10000x128xf32, #tpu.memory_space<hbm>> -> memref<1x128x128xf32, #tpu.memory_space<hbm>>
      %dma_start3A_60 = tpu.memref_squeeze %dma_start3A_59 : memref<1x128x128xf32, #tpu.memory_space<hbm>> -> memref<128x128xf32, #tpu.memory_space<hbm>>
      %dma_start3A_61 = arith.constant 0 : i32
      %dma_start3A_62 = arith.constant 0 : i32
      %dma_start3A_63 = tpu.memref_slice %arg8[%dma_start3A_61, %dma_start3A_62] : memref<128x128xf32, #tpu.memory_space<vmem>> -> memref<128x128xf32, #tpu.memory_space<vmem>>
      tpu.enqueue_dma source(%dma_start3A_63 : memref<128x128xf32, #tpu.memory_space<vmem>>) target(%dma_start3A_60 : memref<128x128xf32, #tpu.memory_space<hbm>>) target_semaphore(%run_scoped3A : memref<!tpu.dma_semaphore, #tpu.memory_space<semaphore_mem>>)
      %dma_wait3A = arith.constant 0 : i32
      %dma_wait3A_64 = arith.constant 0 : i32
      %dma_wait3A_65 = tpu.memref_slice %arg8[%dma_wait3A, %dma_wait3A_64] : memref<128x128xf32, #tpu.memory_space<vmem>> -> memref<128x128xf32, #tpu.memory_space<vmem>>
      %dma_wait3A_66 = arith.constant 0 : i32
      %dma_wait3A_67 = tpu.memref_slice %arg5[%arg0, %add3A_31, %dma_wait3A_66] : memref<2x10000x128xf32, #tpu.memory_space<hbm>> -> memref<1x128x128xf32, #tpu.memory_space<hbm>>
      %dma_wait3A_68 = tpu.memref_squeeze %dma_wait3A_67 : memref<1x128x128xf32, #tpu.memory_space<hbm>> -> memref<128x128xf32, #tpu.memory_space<hbm>>
      %dma_wait3A_69 = arith.constant 0 : i32
      %dma_wait3A_70 = tpu.memref_slice %arg5[%arg0, %add3A_31, %dma_wait3A_69] : memref<2x10000x128xf32, #tpu.memory_space<hbm>> -> memref<1x128x128xf32, #tpu.memory_space<hbm>>
      %dma_wait3A_71 = tpu.memref_squeeze %dma_wait3A_70 : memref<1x128x128xf32, #tpu.memory_space<hbm>> -> memref<128x128xf32, #tpu.memory_space<hbm>>
      %dma_wait3A_72 = arith.constant 0 : i32
      %dma_wait3A_73 = arith.constant 0 : i32
      %dma_wait3A_74 = tpu.memref_slice %arg8[%dma_wait3A_72, %dma_wait3A_73] : memref<128x128xf32, #tpu.memory_space<vmem>> -> memref<128x128xf32, #tpu.memory_space<vmem>>
      tpu.wait_dma2 semaphore(%run_scoped3A : memref<!tpu.dma_semaphore, #tpu.memory_space<semaphore_mem>>) src(%dma_wait3A_74 : memref<128x128xf32, #tpu.memory_space<vmem>>) dst(%dma_wait3A_71 : memref<128x128xf32, #tpu.memory_space<hbm>>)
      tpu.yield
    }) : () -> ()
    %add3A_32 = arith.constant 128 : i32
    %add3A_33 = arith.addi %mul3A_2, %add3A_32 : i32
    "tpu.region"() ({
      %run_scoped3A = tpu.sem_alloc : memref<!tpu.dma_semaphore, #tpu.memory_space<semaphore_mem>>
      %dma_start3A = arith.constant 0 : i32
      %dma_start3A_53 = arith.constant 0 : i32
      %dma_start3A_54 = tpu.memref_slice %arg8[%dma_start3A, %dma_start3A_53] : memref<128x128xf32, #tpu.memory_space<vmem>> -> memref<128x128xf32, #tpu.memory_space<vmem>>
      %dma_start3A_55 = arith.constant 0 : i32
      %dma_start3A_56 = tpu.memref_slice %arg9[%add3A_33, %dma_start3A_55] : memref<10000x128xf32, #tpu.memory_space<vmem_shared>> -> memref<128x128xf32, #tpu.memory_space<vmem_shared>>
      %dma_start3A_57 = arith.constant 0 : i32
      %dma_start3A_58 = arith.constant 0 : i32
      %dma_start3A_59 = tpu.memref_slice %arg8[%dma_start3A_57, %dma_start3A_58] : memref<128x128xf32, #tpu.memory_space<vmem>> -> memref<128x128xf32, #tpu.memory_space<vmem>>
      %dma_start3A_60 = arith.constant 0 : i32
      %dma_start3A_61 = tpu.memref_slice %arg9[%add3A_33, %dma_start3A_60] : memref<10000x128xf32, #tpu.memory_space<vmem_shared>> -> memref<128x128xf32, #tpu.memory_space<vmem_shared>>
      tpu.enqueue_dma source(%dma_start3A_61 : memref<128x128xf32, #tpu.memory_space<vmem_shared>>) target(%dma_start3A_59 : memref<128x128xf32, #tpu.memory_space<vmem>>) target_semaphore(%run_scoped3A : memref<!tpu.dma_semaphore, #tpu.memory_space<semaphore_mem>>)
      %dma_wait3A = arith.constant 0 : i32
      %dma_wait3A_62 = arith.constant 0 : i32
      %dma_wait3A_63 = tpu.memref_slice %arg8[%dma_wait3A, %dma_wait3A_62] : memref<128x128xf32, #tpu.memory_space<vmem>> -> memref<128x128xf32, #tpu.memory_space<vmem>>
      %dma_wait3A_64 = arith.constant 0 : i32
      %dma_wait3A_65 = tpu.memref_slice %arg9[%add3A_33, %dma_wait3A_64] : memref<10000x128xf32, #tpu.memory_space<vmem_shared>> -> memref<128x128xf32, #tpu.memory_space<vmem_shared>>
      %dma_wait3A_66 = arith.constant 0 : i32
      %dma_wait3A_67 = arith.constant 0 : i32
      %dma_wait3A_68 = tpu.memref_slice %arg8[%dma_wait3A_66, %dma_wait3A_67] : memref<128x128xf32, #tpu.memory_space<vmem>> -> memref<128x128xf32, #tpu.memory_space<vmem>>
      %dma_wait3A_69 = arith.constant 0 : i32
      %dma_wait3A_70 = tpu.memref_slice %arg9[%add3A_33, %dma_wait3A_69] : memref<10000x128xf32, #tpu.memory_space<vmem_shared>> -> memref<128x128xf32, #tpu.memory_space<vmem_shared>>
      tpu.wait_dma2 semaphore(%run_scoped3A : memref<!tpu.dma_semaphore, #tpu.memory_space<semaphore_mem>>) src(%dma_wait3A_70 : memref<128x128xf32, #tpu.memory_space<vmem_shared>>) dst(%dma_wait3A_68 : memref<128x128xf32, #tpu.memory_space<vmem>>)
      tpu.yield
    }) : () -> ()
    %add3A_34 = arith.constant 128 : i32
    %add3A_35 = arith.addi %mul3A_2, %add3A_34 : i32
    "tpu.region"() ({
      %run_scoped3A = tpu.sem_alloc : memref<!tpu.dma_semaphore, #tpu.memory_space<semaphore_mem>>
      %dma_start3A = arith.constant 0 : i32
      %dma_start3A_53 = arith.constant 0 : i32
      %dma_start3A_54 = tpu.memref_slice %arg8[%dma_start3A, %dma_start3A_53] : memref<128x128xf32, #tpu.memory_space<vmem>> -> memref<128x128xf32, #tpu.memory_space<vmem>>
      %dma_start3A_55 = arith.constant 0 : i32
      %dma_start3A_56 = tpu.memref_slice %arg5[%arg0, %add3A_35, %dma_start3A_55] : memref<2x10000x128xf32, #tpu.memory_space<hbm>> -> memref<1x128x128xf32, #tpu.memory_space<hbm>>
      %dma_start3A_57 = tpu.memref_squeeze %dma_start3A_56 : memref<1x128x128xf32, #tpu.memory_space<hbm>> -> memref<128x128xf32, #tpu.memory_space<hbm>>
      %dma_start3A_58 = arith.constant 0 : i32
      %dma_start3A_59 = tpu.memref_slice %arg5[%arg0, %add3A_35, %dma_start3A_58] : memref<2x10000x128xf32, #tpu.memory_space<hbm>> -> memref<1x128x128xf32, #tpu.memory_space<hbm>>
      %dma_start3A_60 = tpu.memref_squeeze %dma_start3A_59 : memref<1x128x128xf32, #tpu.memory_space<hbm>> -> memref<128x128xf32, #tpu.memory_space<hbm>>
      %dma_start3A_61 = arith.constant 0 : i32
      %dma_start3A_62 = arith.constant 0 : i32
      %dma_start3A_63 = tpu.memref_slice %arg8[%dma_start3A_61, %dma_start3A_62] : memref<128x128xf32, #tpu.memory_space<vmem>> -> memref<128x128xf32, #tpu.memory_space<vmem>>
      tpu.enqueue_dma source(%dma_start3A_63 : memref<128x128xf32, #tpu.memory_space<vmem>>) target(%dma_start3A_60 : memref<128x128xf32, #tpu.memory_space<hbm>>) target_semaphore(%run_scoped3A : memref<!tpu.dma_semaphore, #tpu.memory_space<semaphore_mem>>)
      %dma_wait3A = arith.constant 0 : i32
      %dma_wait3A_64 = arith.constant 0 : i32
      %dma_wait3A_65 = tpu.memref_slice %arg8[%dma_wait3A, %dma_wait3A_64] : memref<128x128xf32, #tpu.memory_space<vmem>> -> memref<128x128xf32, #tpu.memory_space<vmem>>
      %dma_wait3A_66 = arith.constant 0 : i32
      %dma_wait3A_67 = tpu.memref_slice %arg5[%arg0, %add3A_35, %dma_wait3A_66] : memref<2x10000x128xf32, #tpu.memory_space<hbm>> -> memref<1x128x128xf32, #tpu.memory_space<hbm>>
      %dma_wait3A_68 = tpu.memref_squeeze %dma_wait3A_67 : memref<1x128x128xf32, #tpu.memory_space<hbm>> -> memref<128x128xf32, #tpu.memory_space<hbm>>
      %dma_wait3A_69 = arith.constant 0 : i32
      %dma_wait3A_70 = tpu.memref_slice %arg5[%arg0, %add3A_35, %dma_wait3A_69] : memref<2x10000x128xf32, #tpu.memory_space<hbm>> -> memref<1x128x128xf32, #tpu.memory_space<hbm>>
      %dma_wait3A_71 = tpu.memref_squeeze %dma_wait3A_70 : memref<1x128x128xf32, #tpu.memory_space<hbm>> -> memref<128x128xf32, #tpu.memory_space<hbm>>
      %dma_wait3A_72 = arith.constant 0 : i32
      %dma_wait3A_73 = arith.constant 0 : i32
      %dma_wait3A_74 = tpu.memref_slice %arg8[%dma_wait3A_72, %dma_wait3A_73] : memref<128x128xf32, #tpu.memory_space<vmem>> -> memref<128x128xf32, #tpu.memory_space<vmem>>
      tpu.wait_dma2 semaphore(%run_scoped3A : memref<!tpu.dma_semaphore, #tpu.memory_space<semaphore_mem>>) src(%dma_wait3A_74 : memref<128x128xf32, #tpu.memory_space<vmem>>) dst(%dma_wait3A_71 : memref<128x128xf32, #tpu.memory_space<hbm>>)
      tpu.yield
    }) : () -> ()
    %add3A_36 = arith.constant 256 : i32
    %add3A_37 = arith.addi %mul3A_2, %add3A_36 : i32
    "tpu.region"() ({
      %run_scoped3A = tpu.sem_alloc : memref<!tpu.dma_semaphore, #tpu.memory_space<semaphore_mem>>
      %dma_start3A = arith.constant 0 : i32
      %dma_start3A_53 = arith.constant 0 : i32
      %dma_start3A_54 = tpu.memref_slice %arg8[%dma_start3A, %dma_start3A_53] : memref<128x128xf32, #tpu.memory_space<vmem>> -> memref<128x128xf32, #tpu.memory_space<vmem>>
      %dma_start3A_55 = arith.constant 0 : i32
      %dma_start3A_56 = tpu.memref_slice %arg9[%add3A_37, %dma_start3A_55] : memref<10000x128xf32, #tpu.memory_space<vmem_shared>> -> memref<128x128xf32, #tpu.memory_space<vmem_shared>>
      %dma_start3A_57 = arith.constant 0 : i32
      %dma_start3A_58 = arith.constant 0 : i32
      %dma_start3A_59 = tpu.memref_slice %arg8[%dma_start3A_57, %dma_start3A_58] : memref<128x128xf32, #tpu.memory_space<vmem>> -> memref<128x128xf32, #tpu.memory_space<vmem>>
      %dma_start3A_60 = arith.constant 0 : i32
      %dma_start3A_61 = tpu.memref_slice %arg9[%add3A_37, %dma_start3A_60] : memref<10000x128xf32, #tpu.memory_space<vmem_shared>> -> memref<128x128xf32, #tpu.memory_space<vmem_shared>>
      tpu.enqueue_dma source(%dma_start3A_61 : memref<128x128xf32, #tpu.memory_space<vmem_shared>>) target(%dma_start3A_59 : memref<128x128xf32, #tpu.memory_space<vmem>>) target_semaphore(%run_scoped3A : memref<!tpu.dma_semaphore, #tpu.memory_space<semaphore_mem>>)
      %dma_wait3A = arith.constant 0 : i32
      %dma_wait3A_62 = arith.constant 0 : i32
      %dma_wait3A_63 = tpu.memref_slice %arg8[%dma_wait3A, %dma_wait3A_62] : memref<128x128xf32, #tpu.memory_space<vmem>> -> memref<128x128xf32, #tpu.memory_space<vmem>>
      %dma_wait3A_64 = arith.constant 0 : i32
      %dma_wait3A_65 = tpu.memref_slice %arg9[%add3A_37, %dma_wait3A_64] : memref<10000x128xf32, #tpu.memory_space<vmem_shared>> -> memref<128x128xf32, #tpu.memory_space<vmem_shared>>
      %dma_wait3A_66 = arith.constant 0 : i32
      %dma_wait3A_67 = arith.constant 0 : i32
      %dma_wait3A_68 = tpu.memref_slice %arg8[%dma_wait3A_66, %dma_wait3A_67] : memref<128x128xf32, #tpu.memory_space<vmem>> -> memref<128x128xf32, #tpu.memory_space<vmem>>
      %dma_wait3A_69 = arith.constant 0 : i32
      %dma_wait3A_70 = tpu.memref_slice %arg9[%add3A_37, %dma_wait3A_69] : memref<10000x128xf32, #tpu.memory_space<vmem_shared>> -> memref<128x128xf32, #tpu.memory_space<vmem_shared>>
      tpu.wait_dma2 semaphore(%run_scoped3A : memref<!tpu.dma_semaphore, #tpu.memory_space<semaphore_mem>>) src(%dma_wait3A_70 : memref<128x128xf32, #tpu.memory_space<vmem_shared>>) dst(%dma_wait3A_68 : memref<128x128xf32, #tpu.memory_space<vmem>>)
      tpu.yield
    }) : () -> ()
    %add3A_38 = arith.constant 256 : i32
    %add3A_39 = arith.addi %mul3A_2, %add3A_38 : i32
    "tpu.region"() ({
      %run_scoped3A = tpu.sem_alloc : memref<!tpu.dma_semaphore, #tpu.memory_space<semaphore_mem>>
      %dma_start3A = arith.constant 0 : i32
      %dma_start3A_53 = arith.constant 0 : i32
      %dma_start3A_54 = tpu.memref_slice %arg8[%dma_start3A, %dma_start3A_53] : memref<128x128xf32, #tpu.memory_space<vmem>> -> memref<128x128xf32, #tpu.memory_space<vmem>>
      %dma_start3A_55 = arith.constant 0 : i32
      %dma_start3A_56 = tpu.memref_slice %arg5[%arg0, %add3A_39, %dma_start3A_55] : memref<2x10000x128xf32, #tpu.memory_space<hbm>> -> memref<1x128x128xf32, #tpu.memory_space<hbm>>
      %dma_start3A_57 = tpu.memref_squeeze %dma_start3A_56 : memref<1x128x128xf32, #tpu.memory_space<hbm>> -> memref<128x128xf32, #tpu.memory_space<hbm>>
      %dma_start3A_58 = arith.constant 0 : i32
      %dma_start3A_59 = tpu.memref_slice %arg5[%arg0, %add3A_39, %dma_start3A_58] : memref<2x10000x128xf32, #tpu.memory_space<hbm>> -> memref<1x128x128xf32, #tpu.memory_space<hbm>>
      %dma_start3A_60 = tpu.memref_squeeze %dma_start3A_59 : memref<1x128x128xf32, #tpu.memory_space<hbm>> -> memref<128x128xf32, #tpu.memory_space<hbm>>
      %dma_start3A_61 = arith.constant 0 : i32
      %dma_start3A_62 = arith.constant 0 : i32
      %dma_start3A_63 = tpu.memref_slice %arg8[%dma_start3A_61, %dma_start3A_62] : memref<128x128xf32, #tpu.memory_space<vmem>> -> memref<128x128xf32, #tpu.memory_space<vmem>>
      tpu.enqueue_dma source(%dma_start3A_63 : memref<128x128xf32, #tpu.memory_space<vmem>>) target(%dma_start3A_60 : memref<128x128xf32, #tpu.memory_space<hbm>>) target_semaphore(%run_scoped3A : memref<!tpu.dma_semaphore, #tpu.memory_space<semaphore_mem>>)
      %dma_wait3A = arith.constant 0 : i32
      %dma_wait3A_64 = arith.constant 0 : i32
      %dma_wait3A_65 = tpu.memref_slice %arg8[%dma_wait3A, %dma_wait3A_64] : memref<128x128xf32, #tpu.memory_space<vmem>> -> memref<128x128xf32, #tpu.memory_space<vmem>>
      %dma_wait3A_66 = arith.constant 0 : i32
      %dma_wait3A_67 = tpu.memref_slice %arg5[%arg0, %add3A_39, %dma_wait3A_66] : memref<2x10000x128xf32, #tpu.memory_space<hbm>> -> memref<1x128x128xf32, #tpu.memory_space<hbm>>
      %dma_wait3A_68 = tpu.memref_squeeze %dma_wait3A_67 : memref<1x128x128xf32, #tpu.memory_space<hbm>> -> memref<128x128xf32, #tpu.memory_space<hbm>>
      %dma_wait3A_69 = arith.constant 0 : i32
      %dma_wait3A_70 = tpu.memref_slice %arg5[%arg0, %add3A_39, %dma_wait3A_69] : memref<2x10000x128xf32, #tpu.memory_space<hbm>> -> memref<1x128x128xf32, #tpu.memory_space<hbm>>
      %dma_wait3A_71 = tpu.memref_squeeze %dma_wait3A_70 : memref<1x128x128xf32, #tpu.memory_space<hbm>> -> memref<128x128xf32, #tpu.memory_space<hbm>>
      %dma_wait3A_72 = arith.constant 0 : i32
      %dma_wait3A_73 = arith.constant 0 : i32
      %dma_wait3A_74 = tpu.memref_slice %arg8[%dma_wait3A_72, %dma_wait3A_73] : memref<128x128xf32, #tpu.memory_space<vmem>> -> memref<128x128xf32, #tpu.memory_space<vmem>>
      tpu.wait_dma2 semaphore(%run_scoped3A : memref<!tpu.dma_semaphore, #tpu.memory_space<semaphore_mem>>) src(%dma_wait3A_74 : memref<128x128xf32, #tpu.memory_space<vmem>>) dst(%dma_wait3A_71 : memref<128x128xf32, #tpu.memory_space<hbm>>)
      tpu.yield
    }) : () -> ()
    %add3A_40 = arith.constant 384 : i32
    %add3A_41 = arith.addi %mul3A_2, %add3A_40 : i32
    "tpu.region"() ({
      %run_scoped3A = tpu.sem_alloc : memref<!tpu.dma_semaphore, #tpu.memory_space<semaphore_mem>>
      %dma_start3A = arith.constant 0 : i32
      %dma_start3A_53 = arith.constant 0 : i32
      %dma_start3A_54 = tpu.memref_slice %arg8[%dma_start3A, %dma_start3A_53] : memref<128x128xf32, #tpu.memory_space<vmem>> -> memref<128x128xf32, #tpu.memory_space<vmem>>
      %dma_start3A_55 = arith.constant 0 : i32
      %dma_start3A_56 = tpu.memref_slice %arg9[%add3A_41, %dma_start3A_55] : memref<10000x128xf32, #tpu.memory_space<vmem_shared>> -> memref<128x128xf32, #tpu.memory_space<vmem_shared>>
      %dma_start3A_57 = arith.constant 0 : i32
      %dma_start3A_58 = arith.constant 0 : i32
      %dma_start3A_59 = tpu.memref_slice %arg8[%dma_start3A_57, %dma_start3A_58] : memref<128x128xf32, #tpu.memory_space<vmem>> -> memref<128x128xf32, #tpu.memory_space<vmem>>
      %dma_start3A_60 = arith.constant 0 : i32
      %dma_start3A_61 = tpu.memref_slice %arg9[%add3A_41, %dma_start3A_60] : memref<10000x128xf32, #tpu.memory_space<vmem_shared>> -> memref<128x128xf32, #tpu.memory_space<vmem_shared>>
      tpu.enqueue_dma source(%dma_start3A_61 : memref<128x128xf32, #tpu.memory_space<vmem_shared>>) target(%dma_start3A_59 : memref<128x128xf32, #tpu.memory_space<vmem>>) target_semaphore(%run_scoped3A : memref<!tpu.dma_semaphore, #tpu.memory_space<semaphore_mem>>)
      %dma_wait3A = arith.constant 0 : i32
      %dma_wait3A_62 = arith.constant 0 : i32
      %dma_wait3A_63 = tpu.memref_slice %arg8[%dma_wait3A, %dma_wait3A_62] : memref<128x128xf32, #tpu.memory_space<vmem>> -> memref<128x128xf32, #tpu.memory_space<vmem>>
      %dma_wait3A_64 = arith.constant 0 : i32
      %dma_wait3A_65 = tpu.memref_slice %arg9[%add3A_41, %dma_wait3A_64] : memref<10000x128xf32, #tpu.memory_space<vmem_shared>> -> memref<128x128xf32, #tpu.memory_space<vmem_shared>>
      %dma_wait3A_66 = arith.constant 0 : i32
      %dma_wait3A_67 = arith.constant 0 : i32
      %dma_wait3A_68 = tpu.memref_slice %arg8[%dma_wait3A_66, %dma_wait3A_67] : memref<128x128xf32, #tpu.memory_space<vmem>> -> memref<128x128xf32, #tpu.memory_space<vmem>>
      %dma_wait3A_69 = arith.constant 0 : i32
      %dma_wait3A_70 = tpu.memref_slice %arg9[%add3A_41, %dma_wait3A_69] : memref<10000x128xf32, #tpu.memory_space<vmem_shared>> -> memref<128x128xf32, #tpu.memory_space<vmem_shared>>
      tpu.wait_dma2 semaphore(%run_scoped3A : memref<!tpu.dma_semaphore, #tpu.memory_space<semaphore_mem>>) src(%dma_wait3A_70 : memref<128x128xf32, #tpu.memory_space<vmem_shared>>) dst(%dma_wait3A_68 : memref<128x128xf32, #tpu.memory_space<vmem>>)
      tpu.yield
    }) : () -> ()
    %add3A_42 = arith.constant 384 : i32
    %add3A_43 = arith.addi %mul3A_2, %add3A_42 : i32
    "tpu.region"() ({
      %run_scoped3A = tpu.sem_alloc : memref<!tpu.dma_semaphore, #tpu.memory_space<semaphore_mem>>
      %dma_start3A = arith.constant 0 : i32
      %dma_start3A_53 = arith.constant 0 : i32
      %dma_start3A_54 = tpu.memref_slice %arg8[%dma_start3A, %dma_start3A_53] : memref<128x128xf32, #tpu.memory_space<vmem>> -> memref<128x128xf32, #tpu.memory_space<vmem>>
      %dma_start3A_55 = arith.constant 0 : i32
      %dma_start3A_56 = tpu.memref_slice %arg5[%arg0, %add3A_43, %dma_start3A_55] : memref<2x10000x128xf32, #tpu.memory_space<hbm>> -> memref<1x128x128xf32, #tpu.memory_space<hbm>>
      %dma_start3A_57 = tpu.memref_squeeze %dma_start3A_56 : memref<1x128x128xf32, #tpu.memory_space<hbm>> -> memref<128x128xf32, #tpu.memory_space<hbm>>
      %dma_start3A_58 = arith.constant 0 : i32
      %dma_start3A_59 = tpu.memref_slice %arg5[%arg0, %add3A_43, %dma_start3A_58] : memref<2x10000x128xf32, #tpu.memory_space<hbm>> -> memref<1x128x128xf32, #tpu.memory_space<hbm>>
      %dma_start3A_60 = tpu.memref_squeeze %dma_start3A_59 : memref<1x128x128xf32, #tpu.memory_space<hbm>> -> memref<128x128xf32, #tpu.memory_space<hbm>>
      %dma_start3A_61 = arith.constant 0 : i32
      %dma_start3A_62 = arith.constant 0 : i32
      %dma_start3A_63 = tpu.memref_slice %arg8[%dma_start3A_61, %dma_start3A_62] : memref<128x128xf32, #tpu.memory_space<vmem>> -> memref<128x128xf32, #tpu.memory_space<vmem>>
      tpu.enqueue_dma source(%dma_start3A_63 : memref<128x128xf32, #tpu.memory_space<vmem>>) target(%dma_start3A_60 : memref<128x128xf32, #tpu.memory_space<hbm>>) target_semaphore(%run_scoped3A : memref<!tpu.dma_semaphore, #tpu.memory_space<semaphore_mem>>)
      %dma_wait3A = arith.constant 0 : i32
      %dma_wait3A_64 = arith.constant 0 : i32
      %dma_wait3A_65 = tpu.memref_slice %arg8[%dma_wait3A, %dma_wait3A_64] : memref<128x128xf32, #tpu.memory_space<vmem>> -> memref<128x128xf32, #tpu.memory_space<vmem>>
      %dma_wait3A_66 = arith.constant 0 : i32
      %dma_wait3A_67 = tpu.memref_slice %arg5[%arg0, %add3A_43, %dma_wait3A_66] : memref<2x10000x128xf32, #tpu.memory_space<hbm>> -> memref<1x128x128xf32, #tpu.memory_space<hbm>>
      %dma_wait3A_68 = tpu.memref_squeeze %dma_wait3A_67 : memref<1x128x128xf32, #tpu.memory_space<hbm>> -> memref<128x128xf32, #tpu.memory_space<hbm>>
      %dma_wait3A_69 = arith.constant 0 : i32
      %dma_wait3A_70 = tpu.memref_slice %arg5[%arg0, %add3A_43, %dma_wait3A_69] : memref<2x10000x128xf32, #tpu.memory_space<hbm>> -> memref<1x128x128xf32, #tpu.memory_space<hbm>>
      %dma_wait3A_71 = tpu.memref_squeeze %dma_wait3A_70 : memref<1x128x128xf32, #tpu.memory_space<hbm>> -> memref<128x128xf32, #tpu.memory_space<hbm>>
      %dma_wait3A_72 = arith.constant 0 : i32
      %dma_wait3A_73 = arith.constant 0 : i32
      %dma_wait3A_74 = tpu.memref_slice %arg8[%dma_wait3A_72, %dma_wait3A_73] : memref<128x128xf32, #tpu.memory_space<vmem>> -> memref<128x128xf32, #tpu.memory_space<vmem>>
      tpu.wait_dma2 semaphore(%run_scoped3A : memref<!tpu.dma_semaphore, #tpu.memory_space<semaphore_mem>>) src(%dma_wait3A_74 : memref<128x128xf32, #tpu.memory_space<vmem>>) dst(%dma_wait3A_71 : memref<128x128xf32, #tpu.memory_space<hbm>>)
      tpu.yield
    }) : () -> ()
    %add3A_44 = arith.constant 512 : i32
    %add3A_45 = arith.addi %mul3A_2, %add3A_44 : i32
    "tpu.region"() ({
      %run_scoped3A = tpu.sem_alloc : memref<!tpu.dma_semaphore, #tpu.memory_space<semaphore_mem>>
      %dma_start3A = arith.constant 0 : i32
      %dma_start3A_53 = arith.constant 0 : i32
      %dma_start3A_54 = tpu.memref_slice %arg8[%dma_start3A, %dma_start3A_53] : memref<128x128xf32, #tpu.memory_space<vmem>> -> memref<112x128xf32, #tpu.memory_space<vmem>>
      %dma_start3A_55 = arith.constant 0 : i32
      %dma_start3A_56 = tpu.memref_slice %arg9[%add3A_45, %dma_start3A_55] : memref<10000x128xf32, #tpu.memory_space<vmem_shared>> -> memref<112x128xf32, #tpu.memory_space<vmem_shared>>
      %dma_start3A_57 = arith.constant 0 : i32
      %dma_start3A_58 = arith.constant 0 : i32
      %dma_start3A_59 = tpu.memref_slice %arg8[%dma_start3A_57, %dma_start3A_58] : memref<128x128xf32, #tpu.memory_space<vmem>> -> memref<112x128xf32, #tpu.memory_space<vmem>>
      %dma_start3A_60 = arith.constant 0 : i32
      %dma_start3A_61 = tpu.memref_slice %arg9[%add3A_45, %dma_start3A_60] : memref<10000x128xf32, #tpu.memory_space<vmem_shared>> -> memref<112x128xf32, #tpu.memory_space<vmem_shared>>
      tpu.enqueue_dma source(%dma_start3A_61 : memref<112x128xf32, #tpu.memory_space<vmem_shared>>) target(%dma_start3A_59 : memref<112x128xf32, #tpu.memory_space<vmem>>) target_semaphore(%run_scoped3A : memref<!tpu.dma_semaphore, #tpu.memory_space<semaphore_mem>>)
      %dma_wait3A = arith.constant 0 : i32
      %dma_wait3A_62 = arith.constant 0 : i32
      %dma_wait3A_63 = tpu.memref_slice %arg8[%dma_wait3A, %dma_wait3A_62] : memref<128x128xf32, #tpu.memory_space<vmem>> -> memref<112x128xf32, #tpu.memory_space<vmem>>
      %dma_wait3A_64 = arith.constant 0 : i32
      %dma_wait3A_65 = tpu.memref_slice %arg9[%add3A_45, %dma_wait3A_64] : memref<10000x128xf32, #tpu.memory_space<vmem_shared>> -> memref<112x128xf32, #tpu.memory_space<vmem_shared>>
      %dma_wait3A_66 = arith.constant 0 : i32
      %dma_wait3A_67 = arith.constant 0 : i32
      %dma_wait3A_68 = tpu.memref_slice %arg8[%dma_wait3A_66, %dma_wait3A_67] : memref<128x128xf32, #tpu.memory_space<vmem>> -> memref<112x128xf32, #tpu.memory_space<vmem>>
      %dma_wait3A_69 = arith.constant 0 : i32
      %dma_wait3A_70 = tpu.memref_slice %arg9[%add3A_45, %dma_wait3A_69] : memref<10000x128xf32, #tpu.memory_space<vmem_shared>> -> memref<112x128xf32, #tpu.memory_space<vmem_shared>>
      tpu.wait_dma2 semaphore(%run_scoped3A : memref<!tpu.dma_semaphore, #tpu.memory_space<semaphore_mem>>) src(%dma_wait3A_70 : memref<112x128xf32, #tpu.memory_space<vmem_shared>>) dst(%dma_wait3A_68 : memref<112x128xf32, #tpu.memory_space<vmem>>)
      tpu.yield
    }) : () -> ()
    %add3A_46 = arith.constant 512 : i32
    %add3A_47 = arith.addi %mul3A_2, %add3A_46 : i32
    "tpu.region"() ({
      %run_scoped3A = tpu.sem_alloc : memref<!tpu.dma_semaphore, #tpu.memory_space<semaphore_mem>>
      %dma_start3A = arith.constant 0 : i32
      %dma_start3A_53 = arith.constant 0 : i32
      %dma_start3A_54 = tpu.memref_slice %arg8[%dma_start3A, %dma_start3A_53] : memref<128x128xf32, #tpu.memory_space<vmem>> -> memref<112x128xf32, #tpu.memory_space<vmem>>
      %dma_start3A_55 = arith.constant 0 : i32
      %dma_start3A_56 = tpu.memref_slice %arg5[%arg0, %add3A_47, %dma_start3A_55] : memref<2x10000x128xf32, #tpu.memory_space<hbm>> -> memref<1x112x128xf32, #tpu.memory_space<hbm>>
      %dma_start3A_57 = tpu.memref_squeeze %dma_start3A_56 : memref<1x112x128xf32, #tpu.memory_space<hbm>> -> memref<112x128xf32, #tpu.memory_space<hbm>>
      %dma_start3A_58 = arith.constant 0 : i32
      %dma_start3A_59 = tpu.memref_slice %arg5[%arg0, %add3A_47, %dma_start3A_58] : memref<2x10000x128xf32, #tpu.memory_space<hbm>> -> memref<1x112x128xf32, #tpu.memory_space<hbm>>
      %dma_start3A_60 = tpu.memref_squeeze %dma_start3A_59 : memref<1x112x128xf32, #tpu.memory_space<hbm>> -> memref<112x128xf32, #tpu.memory_space<hbm>>
      %dma_start3A_61 = arith.constant 0 : i32
      %dma_start3A_62 = arith.constant 0 : i32
      %dma_start3A_63 = tpu.memref_slice %arg8[%dma_start3A_61, %dma_start3A_62] : memref<128x128xf32, #tpu.memory_space<vmem>> -> memref<112x128xf32, #tpu.memory_space<vmem>>
      tpu.enqueue_dma source(%dma_start3A_63 : memref<112x128xf32, #tpu.memory_space<vmem>>) target(%dma_start3A_60 : memref<112x128xf32, #tpu.memory_space<hbm>>) target_semaphore(%run_scoped3A : memref<!tpu.dma_semaphore, #tpu.memory_space<semaphore_mem>>)
      %dma_wait3A = arith.constant 0 : i32
      %dma_wait3A_64 = arith.constant 0 : i32
      %dma_wait3A_65 = tpu.memref_slice %arg8[%dma_wait3A, %dma_wait3A_64] : memref<128x128xf32, #tpu.memory_space<vmem>> -> memref<112x128xf32, #tpu.memory_space<vmem>>
      %dma_wait3A_66 = arith.constant 0 : i32
      %dma_wait3A_67 = tpu.memref_slice %arg5[%arg0, %add3A_47, %dma_wait3A_66] : memref<2x10000x128xf32, #tpu.memory_space<hbm>> -> memref<1x112x128xf32, #tpu.memory_space<hbm>>
      %dma_wait3A_68 = tpu.memref_squeeze %dma_wait3A_67 : memref<1x112x128xf32, #tpu.memory_space<hbm>> -> memref<112x128xf32, #tpu.memory_space<hbm>>
      %dma_wait3A_69 = arith.constant 0 : i32
      %dma_wait3A_70 = tpu.memref_slice %arg5[%arg0, %add3A_47, %dma_wait3A_69] : memref<2x10000x128xf32, #tpu.memory_space<hbm>> -> memref<1x112x128xf32, #tpu.memory_space<hbm>>
      %dma_wait3A_71 = tpu.memref_squeeze %dma_wait3A_70 : memref<1x112x128xf32, #tpu.memory_space<hbm>> -> memref<112x128xf32, #tpu.memory_space<hbm>>
      %dma_wait3A_72 = arith.constant 0 : i32
      %dma_wait3A_73 = arith.constant 0 : i32
      %dma_wait3A_74 = tpu.memref_slice %arg8[%dma_wait3A_72, %dma_wait3A_73] : memref<128x128xf32, #tpu.memory_space<vmem>> -> memref<112x128xf32, #tpu.memory_space<vmem>>
      tpu.wait_dma2 semaphore(%run_scoped3A : memref<!tpu.dma_semaphore, #tpu.memory_space<semaphore_mem>>) src(%dma_wait3A_74 : memref<112x128xf32, #tpu.memory_space<vmem>>) dst(%dma_wait3A_71 : memref<112x128xf32, #tpu.memory_space<hbm>>)
      tpu.yield
    }) : () -> ()
    %eq3A_48 = arith.constant 15 : i32
    %eq3A_49 = arith.cmpi eq, %arg1, %eq3A_48 : i32
    %convert_element_type3A_50 = arith.extui %eq3A_49 : i1 to i32
    %cond3A_51 = arith.constant 0 : i32
    %cond3A_52 = arith.cmpi ne, %convert_element_type3A_50, %cond3A_51 : i32
    scf.if %cond3A_52 {
      "tpu.region"() ({
        %run_scoped3A = tpu.sem_alloc : memref<!tpu.dma_semaphore, #tpu.memory_space<semaphore_mem>>
        %dma_start3A = arith.constant 0 : i32
        %dma_start3A_53 = arith.constant 0 : i32
        %dma_start3A_54 = tpu.memref_slice %arg8[%dma_start3A, %dma_start3A_53] : memref<128x128xf32, #tpu.memory_space<vmem>> -> memref<16x128xf32, #tpu.memory_space<vmem>>
        %dma_start3A_55 = arith.constant 9984 : i32
        %dma_start3A_56 = arith.constant 0 : i32
        %dma_start3A_57 = tpu.memref_slice %arg9[%dma_start3A_55, %dma_start3A_56] : memref<10000x128xf32, #tpu.memory_space<vmem_shared>> -> memref<16x128xf32, #tpu.memory_space<vmem_shared>>
        %dma_start3A_58 = arith.constant 0 : i32
        %dma_start3A_59 = arith.constant 0 : i32
        %dma_start3A_60 = tpu.memref_slice %arg8[%dma_start3A_58, %dma_start3A_59] : memref<128x128xf32, #tpu.memory_space<vmem>> -> memref<16x128xf32, #tpu.memory_space<vmem>>
        %dma_start3A_61 = arith.constant 9984 : i32
        %dma_start3A_62 = arith.constant 0 : i32
        %dma_start3A_63 = tpu.memref_slice %arg9[%dma_start3A_61, %dma_start3A_62] : memref<10000x128xf32, #tpu.memory_space<vmem_shared>> -> memref<16x128xf32, #tpu.memory_space<vmem_shared>>
        tpu.enqueue_dma source(%dma_start3A_63 : memref<16x128xf32, #tpu.memory_space<vmem_shared>>) target(%dma_start3A_60 : memref<16x128xf32, #tpu.memory_space<vmem>>) target_semaphore(%run_scoped3A : memref<!tpu.dma_semaphore, #tpu.memory_space<semaphore_mem>>)
        %dma_wait3A = arith.constant 0 : i32
        %dma_wait3A_64 = arith.constant 0 : i32
        %dma_wait3A_65 = tpu.memref_slice %arg8[%dma_wait3A, %dma_wait3A_64] : memref<128x128xf32, #tpu.memory_space<vmem>> -> memref<16x128xf32, #tpu.memory_space<vmem>>
        %dma_wait3A_66 = arith.constant 9984 : i32
        %dma_wait3A_67 = arith.constant 0 : i32
        %dma_wait3A_68 = tpu.memref_slice %arg9[%dma_wait3A_66, %dma_wait3A_67] : memref<10000x128xf32, #tpu.memory_space<vmem_shared>> -> memref<16x128xf32, #tpu.memory_space<vmem_shared>>
        %dma_wait3A_69 = arith.constant 0 : i32
        %dma_wait3A_70 = arith.constant 0 : i32
        %dma_wait3A_71 = tpu.memref_slice %arg8[%dma_wait3A_69, %dma_wait3A_70] : memref<128x128xf32, #tpu.memory_space<vmem>> -> memref<16x128xf32, #tpu.memory_space<vmem>>
        %dma_wait3A_72 = arith.constant 9984 : i32
        %dma_wait3A_73 = arith.constant 0 : i32
        %dma_wait3A_74 = tpu.memref_slice %arg9[%dma_wait3A_72, %dma_wait3A_73] : memref<10000x128xf32, #tpu.memory_space<vmem_shared>> -> memref<16x128xf32, #tpu.memory_space<vmem_shared>>
        tpu.wait_dma2 semaphore(%run_scoped3A : memref<!tpu.dma_semaphore, #tpu.memory_space<semaphore_mem>>) src(%dma_wait3A_74 : memref<16x128xf32, #tpu.memory_space<vmem_shared>>) dst(%dma_wait3A_71 : memref<16x128xf32, #tpu.memory_space<vmem>>)
        tpu.yield
      }) : () -> ()
      "tpu.region"() ({
        %run_scoped3A = tpu.sem_alloc : memref<!tpu.dma_semaphore, #tpu.memory_space<semaphore_mem>>
        %dma_start3A = arith.constant 0 : i32
        %dma_start3A_53 = arith.constant 0 : i32
        %dma_start3A_54 = tpu.memref_slice %arg8[%dma_start3A, %dma_start3A_53] : memref<128x128xf32, #tpu.memory_space<vmem>> -> memref<16x128xf32, #tpu.memory_space<vmem>>
        %dma_start3A_55 = arith.constant 9984 : i32
        %dma_start3A_56 = arith.constant 0 : i32
        %dma_start3A_57 = tpu.memref_slice %arg5[%arg0, %dma_start3A_55, %dma_start3A_56] : memref<2x10000x128xf32, #tpu.memory_space<hbm>> -> memref<1x16x128xf32, #tpu.memory_space<hbm>>
        %dma_start3A_58 = tpu.memref_squeeze %dma_start3A_57 : memref<1x16x128xf32, #tpu.memory_space<hbm>> -> memref<16x128xf32, #tpu.memory_space<hbm>>
        %dma_start3A_59 = arith.constant 9984 : i32
        %dma_start3A_60 = arith.constant 0 : i32
        %dma_start3A_61 = tpu.memref_slice %arg5[%arg0, %dma_start3A_59, %dma_start3A_60] : memref<2x10000x128xf32, #tpu.memory_space<hbm>> -> memref<1x16x128xf32, #tpu.memory_space<hbm>>
        %dma_start3A_62 = tpu.memref_squeeze %dma_start3A_61 : memref<1x16x128xf32, #tpu.memory_space<hbm>> -> memref<16x128xf32, #tpu.memory_space<hbm>>
        %dma_start3A_63 = arith.constant 0 : i32
        %dma_start3A_64 = arith.constant 0 : i32
        %dma_start3A_65 = tpu.memref_slice %arg8[%dma_start3A_63, %dma_start3A_64] : memref<128x128xf32, #tpu.memory_space<vmem>> -> memref<16x128xf32, #tpu.memory_space<vmem>>
        tpu.enqueue_dma source(%dma_start3A_65 : memref<16x128xf32, #tpu.memory_space<vmem>>) target(%dma_start3A_62 : memref<16x128xf32, #tpu.memory_space<hbm>>) target_semaphore(%run_scoped3A : memref<!tpu.dma_semaphore, #tpu.memory_space<semaphore_mem>>)
        %dma_wait3A = arith.constant 0 : i32
        %dma_wait3A_66 = arith.constant 0 : i32
        %dma_wait3A_67 = tpu.memref_slice %arg8[%dma_wait3A, %dma_wait3A_66] : memref<128x128xf32, #tpu.memory_space<vmem>> -> memref<16x128xf32, #tpu.memory_space<vmem>>
        %dma_wait3A_68 = arith.constant 9984 : i32
        %dma_wait3A_69 = arith.constant 0 : i32
        %dma_wait3A_70 = tpu.memref_slice %arg5[%arg0, %dma_wait3A_68, %dma_wait3A_69] : memref<2x10000x128xf32, #tpu.memory_space<hbm>> -> memref<1x16x128xf32, #tpu.memory_space<hbm>>
        %dma_wait3A_71 = tpu.memref_squeeze %dma_wait3A_70 : memref<1x16x128xf32, #tpu.memory_space<hbm>> -> memref<16x128xf32, #tpu.memory_space<hbm>>
        %dma_wait3A_72 = arith.constant 9984 : i32
        %dma_wait3A_73 = arith.constant 0 : i32
        %dma_wait3A_74 = tpu.memref_slice %arg5[%arg0, %dma_wait3A_72, %dma_wait3A_73] : memref<2x10000x128xf32, #tpu.memory_space<hbm>> -> memref<1x16x128xf32, #tpu.memory_space<hbm>>
        %dma_wait3A_75 = tpu.memref_squeeze %dma_wait3A_74 : memref<1x16x128xf32, #tpu.memory_space<hbm>> -> memref<16x128xf32, #tpu.memory_space<hbm>>
        %dma_wait3A_76 = arith.constant 0 : i32
        %dma_wait3A_77 = arith.constant 0 : i32
        %dma_wait3A_78 = tpu.memref_slice %arg8[%dma_wait3A_76, %dma_wait3A_77] : memref<128x128xf32, #tpu.memory_space<vmem>> -> memref<16x128xf32, #tpu.memory_space<vmem>>
        tpu.wait_dma2 semaphore(%run_scoped3A : memref<!tpu.dma_semaphore, #tpu.memory_space<semaphore_mem>>) src(%dma_wait3A_78 : memref<16x128xf32, #tpu.memory_space<vmem>>) dst(%dma_wait3A_75 : memref<16x128xf32, #tpu.memory_space<hbm>>)
        tpu.yield
      }) : () -> ()
    } else {
    }
    return
  }
}

module attributes {stable_mosaic.version = 14 : i64} {
  func.func @_tc_body(%arg0: i32, %arg1: memref<2x1000x128xf32, #tpu.memory_space<vmem>>, %arg2: memref<2x1000x128xf32, #tpu.memory_space<vmem>>, %arg3: memref<128x128xf32, #tpu.memory_space<vmem>>, %arg4: memref<128x128xf32, #tpu.memory_space<vmem>>, %arg5: memref<128x8xf32, #tpu.memory_space<vmem>>, %arg6: memref<1x8xf32, #tpu.memory_space<vmem>>, %arg7: memref<1x128xf32, #tpu.memory_space<vmem>>) attributes {dimension_semantics = [#tpu.dimension_semantics<arbitrary>], iteration_bounds = array<i64: 10>, scalar_prefetch = 0 : i64, scratch_operands = 1 : i64, tpu.core_type = #tpu.core_type<tc>, window_params = [{transform_indices = @transform_0, window_bounds = array<i64: 2, 1000, 128>}, {transform_indices = @transform_1, window_bounds = array<i64: 2, 1000, 128>}, {pipeline_mode = #tpu.pipeline_mode<synchronous>, transform_indices = @transform_2, window_bounds = array<i64: 128, 128>}, {pipeline_mode = #tpu.pipeline_mode<synchronous>, transform_indices = @transform_3, window_bounds = array<i64: 128, 128>}, {pipeline_mode = #tpu.pipeline_mode<synchronous>, transform_indices = @transform_4, window_bounds = array<i64: 128, 8>}, {pipeline_mode = #tpu.pipeline_mode<synchronous>, transform_indices = @transform_5, window_bounds = array<i64: 1, 8>}]} {
    %eq3A = arith.constant 0 : i32
    %eq3A_0 = arith.cmpi eq, %arg0, %eq3A : i32
    %convert_element_type3A = arith.extui %eq3A_0 : i1 to i32
    %cond3A = arith.constant 0 : i32
    %cond3A_1 = arith.cmpi ne, %convert_element_type3A, %cond3A : i32
    scf.if %cond3A_1 {
      %broadcast_in_dim3A_41 = arith.constant 0.000000e+00 : f32
      %broadcast_in_dim3A_42 = vector.broadcast %broadcast_in_dim3A_41 : f32 to vector<1x128xf32>
      %swap3A_43 = arith.constant 0 : index
      %swap3A_44 = arith.constant 0 : index
      %swap3A_45 = vector.load %arg7[%swap3A_43, %swap3A_44] : memref<1x128xf32, #tpu.memory_space<vmem>>, vector<1x128xf32>
      tpu.vector_store %arg7[%swap3A_43, %swap3A_44], %broadcast_in_dim3A_42 {strides = array<i32>} : memref<1x128xf32, #tpu.memory_space<vmem>>, vector<1x128xf32>,
    } else {
    }
    %get3A = arith.constant 0 : index
    %get3A_2 = arith.constant 0 : index
    %get3A_3 = arith.constant 0 : index
    %get3A_4 = vector.load %arg1[%get3A, %get3A_2, %get3A_3] : memref<2x1000x128xf32, #tpu.memory_space<vmem>>, vector<1x1000x128xf32>
    %get3A_5 = vector.shape_cast %get3A_4 : vector<1x1000x128xf32> to vector<1000x128xf32>
    %get3A_6 = arith.constant 1 : index
    %get3A_7 = arith.constant 0 : index
    %get3A_8 = arith.constant 0 : index
    %get3A_9 = vector.load %arg1[%get3A_6, %get3A_7, %get3A_8] : memref<2x1000x128xf32, #tpu.memory_space<vmem>>, vector<1x1000x128xf32>
    %get3A_10 = vector.shape_cast %get3A_9 : vector<1x1000x128xf32> to vector<1000x128xf32>
    %add3A = arith.addf %get3A_5, %get3A_10 : vector<1000x128xf32>
    %get3A_11 = arith.constant 0 : index
    %get3A_12 = arith.constant 0 : index
    %get3A_13 = vector.load %arg3[%get3A_11, %get3A_12] : memref<128x128xf32, #tpu.memory_space<vmem>>, vector<128x128xf32>
    %dot_general3A = arith.constant dense<0.000000e+00> : vector<1000x128xf32>
    %dot_general3A_14 = tpu.matmul %add3A, %get3A_13, %dot_general3A {dimension_numbers = #tpu.dot_dimension_numbers<[1], [0], [0], [1], [0, 0, 1, 1], [], []>, precision = #tpu.contract_precision<fp32>, transpose_lhs_hint = false} : vector<1000x128xf32>, vector<128x128xf32>, vector<1000x128xf32> -> vector<1000x128xf32>
    %max3A = arith.constant 0.000000e+00 : f32
    %max3A_15 = vector.broadcast %max3A : f32 to vector<1000x128xf32>
    %max3A_16 = arith.maximumf %dot_general3A_14, %max3A_15 : vector<1000x128xf32>
    %get3A_17 = arith.constant 0 : index
    %get3A_18 = arith.constant 0 : index
    %get3A_19 = arith.constant 0 : index
    %get3A_20 = vector.load %arg2[%get3A_17, %get3A_18, %get3A_19] : memref<2x1000x128xf32, #tpu.memory_space<vmem>>, vector<1x1000x1xf32>
    %get3A_21 = vector.shape_cast %get3A_20 : vector<1x1000x1xf32> to vector<1000x1xf32>
    %get3A_22 = arith.constant 1 : index
    %get3A_23 = arith.constant 0 : index
    %get3A_24 = arith.constant 0 : index
    %get3A_25 = vector.load %arg2[%get3A_22, %get3A_23, %get3A_24] : memref<2x1000x128xf32, #tpu.memory_space<vmem>>, vector<1x1000x1xf32>
    %get3A_26 = vector.shape_cast %get3A_25 : vector<1x1000x1xf32> to vector<1000x1xf32>
    %add3A_27 = arith.addf %get3A_21, %get3A_26 : vector<1000x1xf32>
    %get3A_28 = arith.constant 0 : index
    %get3A_29 = arith.constant 0 : index
    %get3A_30 = vector.load %arg7[%get3A_28, %get3A_29] : memref<1x128xf32, #tpu.memory_space<vmem>>, vector<1x128xf32>
    %mul3A = vector.broadcast %add3A_27 : vector<1000x1xf32> to vector<1000x128xf32>
    %mul3A_31 = arith.mulf %mul3A, %max3A_16 : vector<1000x128xf32>
    %reduce_sum3A = arith.constant dense<0.000000e+00> : vector<128xf32>
    %reduce_sum3A_32 = vector.multi_reduction <add>, %mul3A_31, %reduce_sum3A [0] : vector<1000x128xf32> to vector<128xf32>
    %broadcast_in_dim3A = vector.shape_cast %reduce_sum3A_32 : vector<128xf32> to vector<1x128xf32>
    %add3A_33 = arith.addf %get3A_30, %broadcast_in_dim3A : vector<1x128xf32>
    %swap3A = arith.constant 0 : index
    %swap3A_34 = arith.constant 0 : index
    %swap3A_35 = vector.load %arg7[%swap3A, %swap3A_34] : memref<1x128xf32, #tpu.memory_space<vmem>>, vector<1x128xf32>
    tpu.vector_store %arg7[%swap3A, %swap3A_34], %add3A_33 {strides = array<i32>} : memref<1x128xf32, #tpu.memory_space<vmem>>, vector<1x128xf32>,
    %eq3A_36 = arith.constant 9 : i32
    %eq3A_37 = arith.cmpi eq, %arg0, %eq3A_36 : i32
    %convert_element_type3A_38 = arith.extui %eq3A_37 : i1 to i32
    %cond3A_39 = arith.constant 0 : i32
    %cond3A_40 = arith.cmpi ne, %convert_element_type3A_38, %cond3A_39 : i32
    scf.if %cond3A_40 {
      %get3A_41 = arith.constant 0 : index
      %get3A_42 = arith.constant 0 : index
      %get3A_43 = vector.load %arg7[%get3A_41, %get3A_42] : memref<1x128xf32, #tpu.memory_space<vmem>>, vector<1x128xf32>
      %mul3A_44 = arith.constant 9.99999974E-5 : f32
      %mul3A_45 = vector.broadcast %mul3A_44 : f32 to vector<1x128xf32>
      %mul3A_46 = arith.mulf %get3A_43, %mul3A_45 : vector<1x128xf32>
      %get3A_47 = arith.constant 0 : index
      %get3A_48 = arith.constant 0 : index
      %get3A_49 = vector.load %arg4[%get3A_47, %get3A_48] : memref<128x128xf32, #tpu.memory_space<vmem>>, vector<128x128xf32>
      %dot_general3A_50 = arith.constant dense<0.000000e+00> : vector<1x128xf32>
      %dot_general3A_51 = tpu.matmul %mul3A_46, %get3A_49, %dot_general3A_50 {dimension_numbers = #tpu.dot_dimension_numbers<[1], [0], [0], [1], [0, 0, 1, 1], [], []>, precision = #tpu.contract_precision<fp32>, transpose_lhs_hint = false} : vector<1x128xf32>, vector<128x128xf32>, vector<1x128xf32> -> vector<1x128xf32>
      %get3A_52 = arith.constant 0 : index
      %get3A_53 = arith.constant 0 : index
      %get3A_54 = vector.load %arg5[%get3A_52, %get3A_53] : memref<128x8xf32, #tpu.memory_space<vmem>>, vector<128x8xf32>
      %dot_general3A_55 = arith.constant dense<0.000000e+00> : vector<1x8xf32>
      %dot_general3A_56 = tpu.matmul %dot_general3A_51, %get3A_54, %dot_general3A_55 {dimension_numbers = #tpu.dot_dimension_numbers<[1], [0], [0], [1], [0, 0, 1, 1], [], []>, precision = #tpu.contract_precision<fp32>, transpose_lhs_hint = false} : vector<1x128xf32>, vector<128x8xf32>, vector<1x8xf32> -> vector<1x8xf32>
      %logistic3A = arith.negf %dot_general3A_56 : vector<1x8xf32>
      %logistic3A_57 = math.exp %logistic3A : vector<1x8xf32>
      %logistic3A_58 = arith.constant 1.000000e+00 : f32
      %logistic3A_59 = vector.broadcast %logistic3A_58 : f32 to vector<1x8xf32>
      %logistic3A_60 = arith.addf %logistic3A_59, %logistic3A_57 : vector<1x8xf32>
      %logistic3A_61 = arith.divf %logistic3A_59, %logistic3A_60 : vector<1x8xf32>
      %swap3A_62 = arith.constant 0 : index
      %swap3A_63 = arith.constant 0 : index
      %swap3A_64 = vector.load %arg6[%swap3A_62, %swap3A_63] : memref<1x8xf32, #tpu.memory_space<vmem>>, vector<1x8xf32>
      tpu.vector_store %arg6[%swap3A_62, %swap3A_63], %logistic3A_61 {strides = array<i32>} : memref<1x8xf32, #tpu.memory_space<vmem>>, vector<1x8xf32>,
    } else {
    }
    return
  }
  func.func @transform_0(%arg0: i32) -> (i32, i32, i32) {
    %c0_i32 = arith.constant 0 : i32
    %c0_i32_0 = arith.constant 0 : i32
    %c0_i32_1 = arith.constant 0 : i32
    return %c0_i32, %arg0, %c0_i32_0 : i32, i32, i32
  }
  func.func @transform_1(%arg0: i32) -> (i32, i32, i32) {
    %c0_i32 = arith.constant 0 : i32
    %c0_i32_0 = arith.constant 0 : i32
    %c0_i32_1 = arith.constant 0 : i32
    return %c0_i32, %arg0, %c0_i32_0 : i32, i32, i32
  }
  func.func @transform_2(%arg0: i32) -> (i32, i32) {
    %c0_i32 = arith.constant 0 : i32
    %c0_i32_0 = arith.constant 0 : i32
    %c0_i32_1 = arith.constant 0 : i32
    return %c0_i32, %c0_i32_0 : i32, i32
  }
  func.func @transform_3(%arg0: i32) -> (i32, i32) {
    %c0_i32 = arith.constant 0 : i32
    %c0_i32_0 = arith.constant 0 : i32
    %c0_i32_1 = arith.constant 0 : i32
    return %c0_i32, %c0_i32_0 : i32, i32
  }
  func.func @transform_4(%arg0: i32) -> (i32, i32) {
    %c0_i32 = arith.constant 0 : i32
    %c0_i32_0 = arith.constant 0 : i32
    %c0_i32_1 = arith.constant 0 : i32
    return %c0_i32, %c0_i32_0 : i32, i32
  }
  func.func @transform_5(%arg0: i32) -> (i32, i32) {
    %c0_i32 = arith.constant 0 : i32
    %c0_i32_0 = arith.constant 0 : i32
    %c0_i32_1 = arith.constant 0 : i32
    return %c0_i32, %c0_i32_0 : i32, i32
  }
}

</mosaic_0001>

<sc_bundles>
// kernel: kernel.5.cloned.1.call-start
scs
__scs_entry_jumppad:
0x0: {  	(pc) =	sbr.rel $0x88, $3  }
0x1: {  	(tag) =	ssettag $0x0;
	lr =	simm.s32 $0x1  }
0x2: {  	[smem:$0x3F9C] =	sst lr;
	_ =	strace $0xD0000000  }
0x3: {  	_ = 	snop  }
0x4: {  	_ = 	snop  }
0x5: {  	_ = 	snop  }
0x6: {  	_ = 	snop  }
0x7: {  	_ = 	snop  }
__scs_overlays_trampoline_lowered:
0x8: {  	[smem:$0x3FAB] =	sst s0  }
0x9: {  	[smem:$0x3FAC] =	sst s1  }
0xa: {  	[smem:$0x3FAD] =	sst s2  }
0xb: {  	[smem:$0x3FAE] =	sst s3  }
0xc: {  	[smem:$0x3FAF] =	sst s4  }
0xd: {  	[smem:$0x3FB0] =	sst s5  }
0xe: {  	[smem:$0x3FB1] =	sst s6  }
0xf: {  	[smem:$0x3FB2] =	sst s7  }
0x10: {  	[smem:$0x3FB3] =	sst s8  }
0x11: {  	[smem:$0x3FB4] =	sst s9;
	s0 =	simm.s32 @!p0 $0x0  }
0x12: {  	s1 =	sld [smem:$0x3F9A];
	s0 =	simm.s32 @p0 $0x1  }
0x13: {  	[smem:$0x3FB5] =	sst s0;
	s0 =	simm.s32 @!p1 $0x0  }
0x14: {  	s2 =	sld [smem:$0x3F99];
	s0 =	simm.s32 @p1 $0x1  }
0x15: {  	[smem:$0x3FB6] =	sst s0;
	s0 =	simm.s32 @!p2 $0x0  }
0x16: {  	s3 =	sld [smem:$0x3FDB];
	s0 =	simm.s32 @p2 $0x1  }
0x17: {  	s4 =	simm.s32 $0x1BF5;
	[smem:$0x3FB8] =	sst s0  }
0x18: {  	s0 =	sld [smem:$0x3F9B];
	_ =	swait.ge [sflag:s4], $0x0  }
0x19: {  	s7 =	sld [smem:$0x3F9C]  }
0x1a: {  	s8 =	sadd.s32 $0xFFFFE003, lr  }
0x1b: {  	s9 =	sadd.s32 $0xFFFFFEF7, lr;
	s5 =	simm.s32 $0xFFFFFFFF;
	p2 =	slt.u32 s8, $0xFFFFF086  }
0x1c: {  	p1 =	slt.u32 s9, $0xF7A;
	s5 =	simm.s32 @!p2 $0x0  }
0x1d: {  	s5 =	simm.s32 @p1 $0x1;
	p0 =	seq.s32 s7, s2  }
0x1e: {  	s7 =	smul.u32 @!p0 $0xF7A, s2;
	p2 =	seq.s32 @!p0 s5, $0x0  }
0x1f: {  	s9 =	smul.u32 $0xF7A, s1;
	s8 =	simm.s32 @!p0 $0x1BF5;
	p2 =	por !p2, p0  }
0x20: {  	[sflag:s8] =	ssyncset.s32 @!p0 $0xFFFFF086;
	s6 =	sadd.s32 @!p0 s3, s7;
	s7 =	simm.s32 @!p0 $0x108  }
0x21: {  	s3 =	sadd.s32 s3, s9;
	s6 =	sadd.s32 @!p0 $0x88, s6;
	s7 =	simm.s32 @p2 $0x1082  }
0x22: {  	[simem:s7], [sflag:s8] =	dma.local @!p0 [hbm:s6], $0xF7A  }
0x23: {  	s9 =	sor.u32 $0xD0000000, s2;
	s6 =	simm.s32 $0x108;
	_ =	swait.ge @!p0 [sflag:s8], $0x0  }
0x24: {  	s3 =	sadd.s32 $0x88, s3;
	s6 =	simm.s32 @!p1 $0x1082;
	[sflag:s4] =	ssyncset.s32 $0xFFFFF086  }
0x25: {  	[simem:s6], [sflag:s4] =	dma.local [hbm:s3], $0xF7A  }
0x26: {  	[smem:$0x3F9C] =	sst s1;
	(tag) =	ssettag s2;
	_ =	strace s9  }
0x27: {  	s1 =	sld [smem:$0x3FAC]  }
0x28: {  	s2 =	sld [smem:$0x3FAD]  }
0x29: {  	s4 =	sld [smem:$0x3FAF]  }
0x2a: {  	p0 =	seq.s32 s5, $0x0;
	s5 =	sld [smem:$0x3FB0]  }
0x2b: {  	s6 =	sld [smem:$0x3FB1]  }
0x2c: {  	s7 =	sld [smem:$0x3FB2]  }
0x2d: {  	s3 =	simm.s32 $0x108;
	s8 =	sld [smem:$0x3FB3]  }
0x2e: {  	s3 =	simm.s32 @!p0 $0x1082;
	s9 =	sld [smem:$0x3FB4]  }
0x2f: {  	lr =	sadd.s32 s0, s3;
	s0 =	sld [smem:$0x3FAB]  }
0x30: {  	s3 =	sld [smem:$0x3FAE]  }
0x31: {  	[smem:$0x3FB7] =	sst s10  }
0x32: {  	s10 =	sld [smem:$0x3FB5];
	_ =	sdelay $0x3  }
0x33: {  	p0 =	seq.s32 s10, $0x1;
	s10 =	sld [smem:$0x3FB7];
	_ =	sdelay $0x3  }
0x34: {  	[smem:$0x3FB7] =	sst s10  }
0x35: {  	s10 =	sld [smem:$0x3FB6];
	_ =	sdelay $0x3  }
0x36: {  	p1 =	seq.s32 s10, $0x1;
	s10 =	sld [smem:$0x3FB7];
	_ =	sdelay $0x3  }
0x37: {  	[smem:$0x3FB7] =	sst s10  }
0x38: {  	s10 =	sld [smem:$0x3FB8]  }
0x39: {  	_ = 	snop;
	(pc) =	sbr.ind lr, $3  }
0x3a: {  	_ = 	snop  }
0x3b: {  	_ = 	snop  }
0x3c: {  	p2 =	seq.s32 s10, $0x1;
	s10 =	sld [smem:$0x3FB7]  }
0x3d: {  	_ =	shalt  }
0x3e: {  	_ =	shalt  }
0x3f: {  	_ =	shalt  }
0x40: {  	_ =	shalt  }
0x41: {  	_ =	shalt  }
0x42: {  	_ =	shalt  }
0x43: {  	_ =	shalt  }
0x44: {  	_ =	shalt  }
0x45: {  	_ =	shalt  }
0x46: {  	_ =	shalt  }
0x47: {  	_ =	shalt  }
0x48: {  	_ =	shalt  }
0x49: {  	_ =	shalt  }
0x4a: {  	_ =	shalt  }
0x4b: {  	_ =	shalt  }
0x4c: {  	_ =	shalt  }
0x4d: {  	_ =	shalt  }
0x4e: {  	_ =	shalt  }
0x4f: {  	_ =	shalt  }
0x50: {  	_ =	shalt  }
0x51: {  	_ =	shalt  }
0x52: {  	_ =	shalt  }
0x53: {  	_ =	shalt  }
0x54: {  	_ =	shalt  }
0x55: {  	_ =	shalt  }
0x56: {  	_ =	shalt  }
0x57: {  	_ =	shalt  }
0x58: {  	_ =	shalt  }
0x59: {  	_ =	shalt  }
0x5a: {  	_ =	shalt  }
0x5b: {  	_ =	shalt  }
0x5c: {  	_ =	shalt  }
0x5d: {  	_ =	shalt  }
0x5e: {  	_ =	shalt  }
0x5f: {  	_ =	shalt  }
0x60: {  	_ =	shalt  }
0x61: {  	_ =	shalt  }
0x62: {  	_ =	shalt  }
0x63: {  	_ =	shalt  }
0x64: {  	_ =	shalt  }
0x65: {  	_ =	shalt  }
0x66: {  	_ =	shalt  }
0x67: {  	_ =	shalt  }
0x68: {  	_ =	shalt  }
0x69: {  	_ =	shalt  }
0x6a: {  	_ =	shalt  }
0x6b: {  	_ =	shalt  }
0x6c: {  	_ =	shalt  }
0x6d: {  	_ =	shalt  }
0x6e: {  	_ =	shalt  }
0x6f: {  	_ =	shalt  }
0x70: {  	_ =	shalt  }
0x71: {  	_ =	shalt  }
0x72: {  	_ =	shalt  }
0x73: {  	_ =	shalt  }
0x74: {  	_ =	shalt  }
0x75: {  	_ =	shalt  }
0x76: {  	_ =	shalt  }
0x77: {  	_ =	shalt  }
0x78: {  	_ =	shalt  }
0x79: {  	_ =	shalt  }
0x7a: {  	_ =	shalt  }
0x7b: {  	_ =	shalt  }
0x7c: {  	_ =	shalt  }
0x7d: {  	_ =	shalt  }
0x7e: {  	_ =	shalt  }
0x7f: {  	_ =	shalt  }
0x80: {  	_ =	shalt  }
0x81: {  	_ =	shalt  }
0x82: {  	_ =	shalt  }
0x83: {  	_ =	shalt  }
0x84: {  	_ =	shalt  }
0x85: {  	_ =	shalt  }
0x86: {  	_ =	shalt  }
0x87: {  	_ =	shalt  }
.Lfunc_end0:
.L_simem_size_0:
called_computation_lowered:
.L_overlay_start_0:
0x88: {  	s2 =	sld [smem:$0x3FD9]  }
0x89: {  	s3 =	sld [smem:$0x3FFE];
	_ =	sdelay $0x1  }
0x8a: {  	s1 =	srdreg.scid  }
0x8b: {  	s0 =	sand.u32 $0x1, s1  }
0x8c: {  	s17 =	sshll.u32 s0, $0xA;
	s2 =	sadd.s32 s3, s2  }
0x8d: {  	s2 =	sadd.s32 s2, s17  }
0x8e: {  	[smem:$0x3FC3] =	sst s2  }
0x8f: {  	_ = 	snop  }
0x90: {  	(tm) =	ssettm $0x1  }
0x91: {  	s18 =	sld [smem:$0x3FFB];
	_ =	sdelay $0x3  }
0x92: {  	_ =	strace s18  }
0x93: {  	s2 =	sld [smem:$0x3FFC];
	_ =	sdelay $0x3  }
0x94: {  	_ =	strace s2  }
0x95: {  	s2 =	sld [smem:$0x3FFD];
	_ =	sdelay $0x3  }
0x96: {  	_ =	strace s2  }
0x97: {  	_ =	strace $0x8FFFFFFF  }
0x98: {  	s19 =	sld [smem:$0x3FDB];
	_ =	sdelay $0x1  }
0x99: {  	s20 =	simm.s32 $_scs_section_size  }
0x9a: {  	s4 =	simm.s32 $_size__tile_overlayer_lowered;
	s5 =	simm.s32 $_tile_overlayer_lowered  }
0x9b: {  	s6 =	simm.s32 $0x1BFF;
	s21 =	sshll.u32 s5, $0x1;
	s3 =	sadd.s32 s20, s19  }
0x9c: {  	s22 =	simm.s32 $0x0;
	s4 =	sshll.u32 s4, $0x1;
	s5 =	sadd.s32 s21, s3  }
0x9d: {  	[timem:s22], [sflag:s6] =	dma.local [hbm:s5], s4  }
0x9e: {  	_ =	swait.ge [sflag:s6], s4  }
0x9f: {  	s4 =	ssub.s32 $0x0, s4;
	[sflag:s6] =	ssyncset.done $0x0  }
0xa0: {  	[sflag:s6] =	ssyncadd.s32 s4;
	_ =	sdelay $0x1  }
0xa1: {  	s23 =	simm.s32 $0x1B8B  }
0xa2: {  	_ =	swait.ge [sflag:s23], $0x1  }
0xa3: {  	[sflag:s23] =	ssyncset.done $0x0  }
0xa4: {  	[sflag:s23] =	ssyncadd.s32 $0xFFFFFFFF  }
0xa5: {  	s4 =	sld [smem:$0x0]  }
0xa6: {  	s5 =	sand.u32 $0xFFFFFFFE, s1  }
0xa7: {  	p0 =	sne.s32 s1, s5  }
0xa8: {  	s5 =	sshll.u32 @p0 s5, $0xE  }
0xa9: {  	s5 =	sadd.s32 @p0 $0x11B8D, s5;
	s6 =	sshll.u32 @p0 s4, $0x11  }
0xaa: {  	s5 =	sor.u32 @p0 s6, s5  }
0xab: {  	[sflag:s5] =	ssyncadd.remote.s32 @p0 $0x1;
	_ =	sdelay $0x1  }
0xac: {  	s5 =	simm.s32 @p0 $0x1B8D  }
0xad: {  	_ =	swait.eq @p0 [sflag:s5], $0x1  }
0xae: {  	[sflag:s5] =	ssyncadd.s32 @p0 $0xFFFFFFFF  }
0xaf: {  	s6 =	sshll.u32 @!p0 s1, $0xE  }
0xb0: {  	s6 =	sor.u32 @!p0 $0x4000, s6;
	s5 =	simm.s32 @!p0 $0x1B8D  }
0xb1: {  	s4 =	sshll.u32 @!p0 s4, $0x11;
	s6 =	sadd.s32 @!p0 $0x11B8D, s6;
	_ =	swait.eq @!p0 [sflag:s5], $0x1  }
0xb2: {  	s4 =	sor.u32 @!p0 s4, s6;
	[sflag:s5] =	ssyncadd.s32 @!p0 $0xFFFFFFFF  }
0xb3: {  	s25 =	simm.s32 $0x1B8E;
	s24 =	sld [smem:$0x3FFE];
	[sflag:s4] =	ssyncadd.remote.s32 @!p0 $0x1  }
0xb4: {  	s26 =	simm.s32 $execute0_lowered;
	[smem:$0x3FD2] =	sst s25  }
0xb5: {  	s5 =	sshll.u32 s26, $0x1;
	_ =	strace $0x80000049;
	[dreg:$0x1] =	wrdreg $0xFFFFFFFF  }
0xb6: {  	s28 =	simm.s32 $_size_execute0_lowered;
	s3 =	sadd.s32 s3, s5;
	[dreg:$0x0] =	wrdreg $0x0  }
0xb7: {  	s5 =	sshll.u32 s28, $0x1;
	[dreg:$0x2] =	wrdreg s3  }
0xb8: {  	[dreg:$0x3] =	wrdreg s5  }
0xb9: {  	[dreg:$0x4] =	wrdreg $0xC0  }
0xba: {  	_ =	task [dreg:s22], $0x5FFFF  }
0xbb: {  	[dreg:$0x1] =	wrdreg $0xFFFFFFFF  }
0xbc: {  	[dreg:$0x0] =	wrdreg $0x60  }
0xbd: {  	[dreg:$0x2] =	wrdreg s24  }
0xbe: {  	[dreg:$0x3] =	wrdreg $0x41000  }
0xbf: {  	[dreg:$0x4] =	wrdreg $0x9  }
0xc0: {  	_ =	task.clear_ibuf [dreg:s22], $0x5FFFF;
	_ =	strace $0x90000049  }
0xc1: {  	s29 =	simm.s32 $0x9;
	_ =	strace $0x8000004B  }
0xc2: {  	_ =	swait.ge [sflag:s29], $0x1  }
0xc3: {  	[sflag:s29] =	ssyncadd.s32 $0xFFFFFFFF  }
0xc4: {  	_ =	strace $0x9000004B  }
0xc5: {  	_ =	sfence  }
0xc6: {  	s30 =	sld [smem:$0x0];
	_ =	sdelay $0x2  }
0xc7: {  	s31 =	sshll.u32 s1, $0xD;
	s1 =	sshrl.u32 s1, $0x2  }
0xc8: {  	s4 =	sand.u32 $0x4000, s31;
	s1 =	sadd.s32 s1, s30  }
0xc9: {  	s0 =	sor.u32 s4, s0;
	s1 =	sshll.u32 s1, $0x11  }
0xca: {  	s0 =	sor.u32 s1, s0  }
0xcb: {  	s0 =	sadd.s32 $0x8F2B, s0  }
0xcc: {  	[sflag:s0] =	ssyncadd.remote.s32 $0x1  }
0xcd: {  	_ =	sfence.sel $0xFFFF  }
0xce: {  	[dreg:$0x0] =	wrdreg $0xFFFFFFFF;
	(pc) =	sbr.abs _section_cstart, $3  }
0xcf: {  	[dreg:$0x1] =	wrdreg $0xFFFFFFFF  }
0xd0: {  	_ =	task.clear_ibuf [dreg:s22], $0x2FFFF;
	_ =	strace $0x9FFFFFFF  }
0xd1: {  	(tm) =	ssettm $0x7FFFFFFF  }
tec
execute0_lowered:
.L_overlay_start_1:
0x0: {  	(tag) =	ssettag $0x1  }
0x1: {  	s5 =	rddreg [dreg:$0x0]  }
0x2: {  	s2 =	rddreg [dreg:$0x1]  }
0x3: {  	s0 =	rddreg [dreg:$0x2];
	s3 =	simm.s32 $0x0;
	s1 =	stileid.u32  }
0x4: {  	s4 =	srdreg.scid;
	s22 =	simm.s32 $0x80;
	s6 =	smul.u32 $0x9E0, s1  }
0x5: {  	s23 =	simm.s32 $0x1;
	[smem:$0x7FF] =	sst s3;
	s7 =	smul.u32 $0x4E000, s1  }
0x6: {  	s14 =	sand.u32 $0x1, s4;
	s4 =	sadd.s32 $0x64C00, s5;
	s9 =	smul.u32 $0x13800, s1  }
0x7: {  	s15 =	sadd.s32 $0x8CC00, s5;
	s10 =	sadd.s32 $0x138000, s2;
	p0 =	sne.s32 s1, $0xF  }
0x8: {  	s24 =	simm.s32 $0x0;
	_ =	strace $0x8000004A;
	s16 =	smul.u32 $0x138800, s14  }
0x9: {  	s29 =	ssub.s32 $0x2, s14;
	s21 =	smul.u32 $0x4F0, s14;
	s17 =	sadd.s32 s6, s5  }
0xa: {  	s8 =	sshrl.u32 s29, $0x1;
	s7 =	sshrl.u32 s7, $0x2;
	s12 =	sadd.s32 $0x4000, s9  }
0xb: {  	s13 =	sadd.s32 $0x8000, s9;
	s19 =	sadd.s32 $0xC000, s9;
	s20 =	sadd.s32 $0x10000, s9  }
0xc: {  	s18 =	ssub.s32 s29, s8;
	s5 =	sadd.s32 s7, s2;
	s6 =	sadd.s32 s12, s2  }
0xd: {  	s7 =	sadd.s32 s13, s2;
	s8 =	sadd.s32 s19, s2;
	s11 =	sadd.s32 s9, s16  }
0xe: {  	s9 =	sadd.s32 s20, s2;
	s12 =	sadd.s32 s16, s12;
	s13 =	sadd.s32 s16, s13  }
0xf: {  	s19 =	sadd.s32 s16, s19;
	s20 =	sadd.s32 s16, s20;
	s16 =	sshrl.u32 s16, $0x3  }
0x10: {  	s31 =	sadd.s32 s21, s17;
	s21 =	simm.s32 $0x2;
	s11 =	sshrl.u32 s11, $0x3  }
0x11: {  	s12 =	sshrl.u32 s12, $0x3;
	s13 =	sshrl.u32 s13, $0x3;
	s19 =	sshrl.u32 s19, $0x3  }
0x12: {  	s30 =	sshrl.u32 s20, $0x3;
	s16 =	sadd.s32 s15, s16;
	s17 =	smax.u32 s18, $0x1  }
0x13: {  	s18 =	sadd.s32 $0x5AE00, s31;
	s20 =	simm.s32 $0x100;
	s11 =	sadd.s32 s15, s11  }
0x14: {  	s12 =	sadd.s32 s15, s12;
	s13 =	sadd.s32 s15, s13;
	s14 =	sadd.s32 s15, s19  }
0x15: {  	v0 =	vimm.f32 $0.0e+00;
	s15 =	sadd.s32 s15, s30;
	s16 =	sadd.s32 $0x27000, s16;
	s19 =	sadd.s32 $0x1000, s31  }
.LBB2_1:
0x16: {  	s25 =	simm.s32 $0x0;
	s26 =	simm.s32 $0x200  }
.LBB2_2:
0x17: {  	p1 =	sne.s32 s26, $0xFE00;
	[tilespmem:s25+$0x170] =	vst v0  }
0x18: {  	[tilespmem:s25+$0x100] =	vst v0  }
0x19: {  	[tilespmem:s25+$0x110] =	vst v0  }
.Ltmp0:
0x1a: {  	[tilespmem:s25+$0x120] =	vst v0;
	(pc) =	sbr.rel @p1 .LBB2_2-.Ltmp0, $4  }
0x1b: {  	[tilespmem:s25+$0x130] =	vst v0  }
0x1c: {  	[tilespmem:s25+$0x140] =	vst v0  }
0x1d: {  	[tilespmem:s25+$0x150] =	vst v0  }
0x1e: {  	[tilespmem:s25+$0x160] =	vst v0;
	s25 =	sshra.s32 s26, $0x2;
	s26 =	sadd.s32 $0x200, s26  }
0x1f: {  	[tilespmem:s25+$0x170] =	vst v0  }
0x20: {  	[tilespmem:s25+$0x100] =	vst v0  }
0x21: {  	[tilespmem:s25+$0x110] =	vst v0  }
0x22: {  	[tilespmem:s25+$0x120] =	vst v0  }
0x23: {  	[tilespmem:s25+$0x130] =	vst v0  }
0x24: {  	[tilespmem:s25+$0x140] =	vst v0  }
0x25: {  	[tilespmem:s25+$0x150] =	vst v0  }
0x26: {  	[tilespmem:s25+$0x160] =	vst v0  }
0x27: {  	[spmem:s5] =	stream.linear.scatter [tilespmem:s20], [sflag:$0x2], $0x4000, $0x38;
	[tilespmem:$0x17980] =	vst v63  }
0x28: {  	_ =	swait.ge [sflag:s21], $0x4000  }
0x29: {  	[sflag:s21] =	ssyncset.done $0x0  }
0x2a: {  	[sflag:s21] =	ssyncadd.s32 $0xFFFFC000  }
0x2b: {  	[spmem:s6] =	stream.linear.scatter [tilespmem:s20], [sflag:$0x2], $0x4000, $0x38;
	[tilespmem:$0x17980] =	vst v63  }
0x2c: {  	_ =	swait.ge [sflag:s21], $0x4000  }
0x2d: {  	[sflag:s21] =	ssyncset.done $0x0  }
0x2e: {  	[sflag:s21] =	ssyncadd.s32 $0xFFFFC000  }
0x2f: {  	[spmem:s7] =	stream.linear.scatter [tilespmem:s20], [sflag:$0x2], $0x4000, $0x38;
	[tilespmem:$0x17980] =	vst v63  }
0x30: {  	_ =	swait.ge [sflag:s21], $0x4000  }
0x31: {  	[sflag:s21] =	ssyncset.done $0x0  }
0x32: {  	[sflag:s21] =	ssyncadd.s32 $0xFFFFC000  }
0x33: {  	[spmem:s8] =	stream.linear.scatter [tilespmem:s20], [sflag:$0x2], $0x4000, $0x38;
	[tilespmem:$0x17980] =	vst v63  }
0x34: {  	_ =	swait.ge [sflag:s21], $0x4000  }
0x35: {  	[sflag:s21] =	ssyncset.done $0x0  }
0x36: {  	[sflag:s21] =	ssyncadd.s32 $0xFFFFC000  }
0x37: {  	[spmem:s9] =	stream.linear.scatter [tilespmem:s20], [sflag:$0x2], $0x3800, $0x38;
	[tilespmem:$0x17980] =	vst v63  }
0x38: {  	_ =	swait.ge [sflag:s21], $0x3800  }
0x39: {  	[sflag:s21] =	ssyncset.done $0x0  }
0x3a: {  	s25 =	simm.s32 @!p0 $0x100;
	[sflag:s21] =	ssyncadd.s32 $0xFFFFC800  }
0x3b: {  	[spmem:s10] =	stream.linear.scatter @!p0 [tilespmem:s25], [sflag:$0x2], $0x800, $0x38;
	[tilespmem:$0x17980] =	vst v63  }
0x3c: {  	s25 =	simm.s32 @!p0 $0x2  }
0x3d: {  	_ =	swait.ge @!p0 [sflag:s25], $0x800  }
0x3e: {  	[sflag:s25] =	ssyncset.done @!p0 $0x0  }
0x3f: {  	[sflag:s25] =	ssyncadd.s32 @!p0 $0xFFFFF800  }
0x40: {  	s30 =	sadd.s32 $0x0, s19;
	[bflag:$0x0] =	sbarrier.arrive $0xFFFF  }
0x41: {  	[tilespmem:s3], [sflag:$0x2] =	stream.linear.gather [hbm4b:s30+s3], $0x80, $0x38;
	[tilespmem:$0x17980] =	vst v63  }
0x42: {  	_ =	swait.ge [sflag:s21], $0x80  }
0x43: {  	[sflag:s21] =	ssyncset.done $0x0  }
0x44: {  	s31 =	sadd.s32 $0x0, s18;
	[sflag:s21] =	ssyncadd.s32 $0xFFFFFF80  }
0x45: {  	[tilespmem:s22], [sflag:$0x2] =	stream.linear.gather [hbm4b:s31+s3], $0x80, $0x38;
	[tilespmem:$0x17980] =	vst v63  }
0x46: {  	_ =	swait.ge [sflag:s21], $0x80  }
0x47: {  	[sflag:s21] =	ssyncset.done $0x0  }
0x48: {  	[sflag:s21] =	ssyncadd.s32 $0xFFFFFF80  }
0x49: {  	[tilespmem:s20], [sflag:$0x1] =	stream.indirect.gather [hbm4b:s4+s22], $0x80, s3, s22, $0xb8;
	[tilespmem:$0x17980] =	vst v63  }
0x4a: {  	_ =	swait.ge [sflag:s23], $0x4000  }
0x4b: {  	[sflag:s23] =	ssyncset.done $0x0  }
0x4c: {  	[sflag:s23] =	ssyncadd.s32 $0xFFFFC000  }
0x4d: {  	[spmem:s2] =	stream.indirect.scatter.add.f32 [tilespmem:s20], [sflag:$0x2], $0x80, s22, s22, $0xb8;
	[tilespmem:$0x17980] =	vst v63  }
0x4e: {  	_ =	swait.ge [sflag:s21], $0x4000  }
0x4f: {  	s26 =	simm.s32 $0x20;
	s25 =	simm.s32 $0x10;
	[sflag:s21] =	ssyncset.done $0x0  }
.LBB2_4:
0x50: {  	s28 =	sadd.s32 s25, s19  }
0x51: {  	[sflag:s21] =	ssyncadd.s32 $0xFFFFC000;
	s29 =	smov.u32 s26;
	s30 =	sadd.s32 $0x10, s26  }
0x52: {  	[tilespmem:s3], [sflag:$0x2] =	stream.linear.gather [hbm4b:s28+s3], $0x80, $0x38;
	[tilespmem:$0x17980] =	vst v63  }
0x53: {  	p1 =	sne.s32 s26, $0x4E0;
	_ =	swait.ge [sflag:s21], $0x80  }
0x54: {  	[sflag:s21] =	ssyncset.done $0x0  }
0x55: {  	s26 =	sadd.s32 s25, s18;
	s25 =	smov.u32 s29;
	[sflag:s21] =	ssyncadd.s32 $0xFFFFFF80  }
0x56: {  	[tilespmem:s22], [sflag:$0x2] =	stream.linear.gather [hbm4b:s26+s3], $0x80, $0x38;
	[tilespmem:$0x17980] =	vst v63  }
0x57: {  	_ =	swait.ge [sflag:s21], $0x80  }
0x58: {  	[sflag:s21] =	ssyncset.done $0x0  }
0x59: {  	[sflag:s21] =	ssyncadd.s32 $0xFFFFFF80  }
0x5a: {  	[tilespmem:s20], [sflag:$0x1] =	stream.indirect.gather [hbm4b:s4+s22], $0x80, s3, s22, $0xb8;
	[tilespmem:$0x17980] =	vst v63  }
0x5b: {  	_ =	swait.ge [sflag:s23], $0x4000  }
.Ltmp1:
0x5c: {  	[sflag:s23] =	ssyncset.done $0x0;
	(pc) =	sbr.rel @p1 .LBB2_4-.Ltmp1, $4  }
0x5d: {  	[sflag:s23] =	ssyncadd.s32 $0xFFFFC000  }
0x5e: {  	[spmem:s2] =	stream.indirect.scatter.add.f32 [tilespmem:s20], [sflag:$0x2], $0x80, s22, s22, $0xb8;
	[tilespmem:$0x17980] =	vst v63  }
0x5f: {  	_ =	swait.ge [sflag:s21], $0x4000  }
0x60: {  	s26 =	smov.u32 s30;
	[sflag:s21] =	ssyncset.done $0x0  }
0x61: {  	s26 =	sadd.s32 s25, s19;
	[sflag:s21] =	ssyncadd.s32 $0xFFFFC000  }
0x62: {  	[tilespmem:s3], [sflag:$0x2] =	stream.linear.gather [hbm4b:s26+s3], $0x80, $0x38;
	[tilespmem:$0x17980] =	vst v63  }
0x63: {  	_ =	swait.ge [sflag:s21], $0x80  }
0x64: {  	[sflag:s21] =	ssyncset.done $0x0  }
0x65: {  	s31 =	sadd.s32 s25, s18;
	[sflag:s21] =	ssyncadd.s32 $0xFFFFFF80  }
0x66: {  	[tilespmem:s22], [sflag:$0x2] =	stream.linear.gather [hbm4b:s31+s3], $0x80, $0x38;
	[tilespmem:$0x17980] =	vst v63  }
0x67: {  	_ =	swait.ge [sflag:s21], $0x80  }
0x68: {  	[sflag:s21] =	ssyncset.done $0x0  }
0x69: {  	[sflag:s21] =	ssyncadd.s32 $0xFFFFFF80  }
0x6a: {  	[tilespmem:s20], [sflag:$0x1] =	stream.indirect.gather [hbm4b:s4+s22], $0x80, s3, s22, $0xb8;
	[tilespmem:$0x17980] =	vst v63  }
0x6b: {  	_ =	swait.ge [sflag:s23], $0x4000  }
0x6c: {  	[sflag:s23] =	ssyncset.done $0x0  }
0x6d: {  	[sflag:s23] =	ssyncadd.s32 $0xFFFFC000  }
0x6e: {  	[spmem:s2] =	stream.indirect.scatter.add.f32 [tilespmem:s20], [sflag:$0x2], $0x80, s22, s22, $0xb8;
	[tilespmem:$0x17980] =	vst v63  }
0x6f: {  	_ =	swait.ge [sflag:s21], $0x4000  }
0x70: {  	[sflag:s21] =	ssyncset.done $0x0  }
0x71: {  	[sflag:s21] =	ssyncadd.s32 $0xFFFFC000  }
0x72: {  	[bflag:$0x0] =	sbarrier.arrive $0xFFFF  }
0x73: {  	[tilespmem:s20], [sflag:$0x2] =	stream.linear.gather [spmem:s5], $0x4000, $0x38;
	[tilespmem:$0x17980] =	vst v63  }
0x74: {  	_ =	swait.ge [sflag:s21], $0x4000  }
0x75: {  	[sflag:s21] =	ssyncset.done $0x0  }
0x76: {  	[sflag:s21] =	ssyncadd.s32 $0xFFFFC000  }
0x77: {  	[hbm4b:s11+s3] =	stream.linear.scatter [tilespmem:s20], [sflag:$0x2], $0x4000, $0x38;
	[tilespmem:$0x17980] =	vst v63  }
0x78: {  	_ =	swait.ge [sflag:s21], $0x4000  }
0x79: {  	[sflag:s21] =	ssyncset.done $0x0  }
0x7a: {  	[sflag:s21] =	ssyncadd.s32 $0xFFFFC000  }
0x7b: {  	[tilespmem:s20], [sflag:$0x2] =	stream.linear.gather [spmem:s6], $0x4000, $0x38;
	[tilespmem:$0x17980] =	vst v63  }
0x7c: {  	_ =	swait.ge [sflag:s21], $0x4000  }
0x7d: {  	[sflag:s21] =	ssyncset.done $0x0  }
0x7e: {  	[sflag:s21] =	ssyncadd.s32 $0xFFFFC000  }
0x7f: {  	[hbm4b:s12+s3] =	stream.linear.scatter [tilespmem:s20], [sflag:$0x2], $0x4000, $0x38;
	[tilespmem:$0x17980] =	vst v63  }
0x80: {  	_ =	swait.ge [sflag:s21], $0x4000  }
0x81: {  	[sflag:s21] =	ssyncset.done $0x0  }
0x82: {  	[sflag:s21] =	ssyncadd.s32 $0xFFFFC000  }
0x83: {  	[tilespmem:s20], [sflag:$0x2] =	stream.linear.gather [spmem:s7], $0x4000, $0x38;
	[tilespmem:$0x17980] =	vst v63  }
0x84: {  	_ =	swait.ge [sflag:s21], $0x4000  }
0x85: {  	[sflag:s21] =	ssyncset.done $0x0  }
0x86: {  	[sflag:s21] =	ssyncadd.s32 $0xFFFFC000  }
0x87: {  	[hbm4b:s13+s3] =	stream.linear.scatter [tilespmem:s20], [sflag:$0x2], $0x4000, $0x38;
	[tilespmem:$0x17980] =	vst v63  }
0x88: {  	_ =	swait.ge [sflag:s21], $0x4000  }
0x89: {  	[sflag:s21] =	ssyncset.done $0x0  }
0x8a: {  	[sflag:s21] =	ssyncadd.s32 $0xFFFFC000  }
0x8b: {  	[tilespmem:s20], [sflag:$0x2] =	stream.linear.gather [spmem:s8], $0x4000, $0x38;
	[tilespmem:$0x17980] =	vst v63  }
0x8c: {  	_ =	swait.ge [sflag:s21], $0x4000  }
0x8d: {  	[sflag:s21] =	ssyncset.done $0x0  }
0x8e: {  	[sflag:s21] =	ssyncadd.s32 $0xFFFFC000  }
0x8f: {  	[hbm4b:s14+s3] =	stream.linear.scatter [tilespmem:s20], [sflag:$0x2], $0x4000, $0x38;
	[tilespmem:$0x17980] =	vst v63  }
0x90: {  	_ =	swait.ge [sflag:s21], $0x4000  }
0x91: {  	[sflag:s21] =	ssyncset.done $0x0  }
0x92: {  	[sflag:s21] =	ssyncadd.s32 $0xFFFFC000  }
0x93: {  	[tilespmem:s20], [sflag:$0x2] =	stream.linear.gather [spmem:s9], $0x3800, $0x38;
	[tilespmem:$0x17980] =	vst v63  }
0x94: {  	_ =	swait.ge [sflag:s21], $0x3800  }
0x95: {  	[sflag:s21] =	ssyncset.done $0x0  }
0x96: {  	[sflag:s21] =	ssyncadd.s32 $0xFFFFC800  }
0x97: {  	[hbm4b:s15+s3] =	stream.linear.scatter [tilespmem:s20], [sflag:$0x2], $0x3800, $0x38;
	[tilespmem:$0x17980] =	vst v63  }
0x98: {  	_ =	swait.ge [sflag:s21], $0x3800  }
0x99: {  	[sflag:s21] =	ssyncset.done $0x0  }
0x9a: {  	s25 =	simm.s32 @!p0 $0x100;
	s26 =	simm.s32 @!p0 $0x2;
	[sflag:s21] =	ssyncadd.s32 $0xFFFFC800  }
0x9b: {  	[tilespmem:s25], [sflag:$0x2] =	stream.linear.gather @!p0 [spmem:s10], $0x800, $0x38;
	[tilespmem:$0x17980] =	vst v63  }
0x9c: {  	s24 =	sadd.s32 $0x1, s24;
	_ =	swait.ge @!p0 [sflag:s26], $0x800  }
0x9d: {  	p1 =	sne.s32 s24, s17;
	[sflag:s26] =	ssyncset.done @!p0 $0x0  }
.Ltmp2:
0x9e: {  	s28 =	simm.s32 @!p0 $0x0;
	[sflag:s26] =	ssyncadd.s32 @!p0 $0xFFFFF800;
	(pc) =	sbr.rel @p1 .LBB2_1-.Ltmp2, $4  }
0x9f: {  	[hbm4b:s16+s28] =	stream.linear.scatter @!p0 [tilespmem:s25], [sflag:$0x2], $0x800, $0x38;
	[tilespmem:$0x17980] =	vst v63  }
0xa0: {  	_ =	swait.ge @!p0 [sflag:s26], $0x800  }
0xa1: {  	[sflag:s26] =	ssyncset.done @!p0 $0x0  }
0xa2: {  	[sflag:s26] =	ssyncadd.s32 @!p0 $0xFFFFF800  }
0xa3: {  	_ =	sfence.sel $0x180000  }
0xa4: {  	[bflag:$0x0] =	sbarrier.arrive $0xFFFF  }
0xa5: {  	p0 =	sne.s32 s1, $0x0;
	_ =	strace $0x9000004A  }
0xa6: {  	s0 =	sadd.s32 @!p0 $0x100000, s0;
	[bflag:$0x2] =	sbarrier.arrive $0xFFFF  }
0xa7: {  	[sflag:s0] =	ssyncadd.tile.s32 @!p0 $0x1;
	_ =	shalt  }
.Lfunc_end2:
_tile_overlayer_lowered:
.L_overlay_start_2:
0xa8: {  	(tag) =	ssettag $0x2  }
0xa9: {  	s0 =	rddreg [dreg:$0x0];
	s2 =	stileid.u32  }
0xaa: {  	s1 =	rddreg [dreg:$0x1];
	p0 =	sne.s32 s2, $0x0  }
0xab: {  	s3 =	rddreg [dreg:$0x2];
	[bflag:$0x3] =	sbarrier.arrive $0xFFFF;
	s2 =	simm.s32 @!p0 $0x1C02  }
0xac: {  	[timem:s3], [sflag:s2] =	dma.local @!p0 [hbm:s0], s1  }
0xad: {  	s0 =	simm.s32 @!p0 $0x2  }
0xae: {  	_ =	swait.ge @!p0 [sflag:s0], s1  }
0xaf: {  	s1 =	ssub.s32 @!p0 $0x0, s1;
	[sflag:s0] =	ssyncset.done @!p0 $0x0  }
0xb0: {  	[sflag:s0] =	ssyncadd.s32 @!p0 s1  }
0xb1: {  	[bflag:$0x3] =	sbarrier.arrive $0xFFFF  }
0xb2: {  	_ =	shalt  }

// kernel: kernel.8.cloned.1.call-start
scs
__scs_entry_jumppad:
0x0: {  	(pc) =	sbr.rel $0x88, $3  }
0x1: {  	(tag) =	ssettag $0x0;
	lr =	simm.s32 $0x1  }
0x2: {  	[smem:$0x3F9C] =	sst lr;
	_ =	strace $0xD0000000  }
0x3: {  	_ = 	snop  }
0x4: {  	_ = 	snop  }
0x5: {  	_ = 	snop  }
0x6: {  	_ = 	snop  }
0x7: {  	_ = 	snop  }
__scs_overlays_trampoline_lowered:
0x8: {  	[smem:$0x3FAB] =	sst s0  }
0x9: {  	[smem:$0x3FAC] =	sst s1  }
0xa: {  	[smem:$0x3FAD] =	sst s2  }
0xb: {  	[smem:$0x3FAE] =	sst s3  }
0xc: {  	[smem:$0x3FAF] =	sst s4  }
0xd: {  	[smem:$0x3FB0] =	sst s5  }
0xe: {  	[smem:$0x3FB1] =	sst s6  }
0xf: {  	[smem:$0x3FB2] =	sst s7  }
0x10: {  	[smem:$0x3FB3] =	sst s8  }
0x11: {  	[smem:$0x3FB4] =	sst s9;
	s0 =	simm.s32 @!p0 $0x0  }
0x12: {  	s1 =	sld [smem:$0x3F9A];
	s0 =	simm.s32 @p0 $0x1  }
0x13: {  	[smem:$0x3FB5] =	sst s0;
	s0 =	simm.s32 @!p1 $0x0  }
0x14: {  	s2 =	sld [smem:$0x3F99];
	s0 =	simm.s32 @p1 $0x1  }
0x15: {  	[smem:$0x3FB6] =	sst s0;
	s0 =	simm.s32 @!p2 $0x0  }
0x16: {  	s3 =	sld [smem:$0x3FDB];
	s0 =	simm.s32 @p2 $0x1  }
0x17: {  	s4 =	simm.s32 $0x1BF5;
	[smem:$0x3FB8] =	sst s0  }
0x18: {  	s0 =	sld [smem:$0x3F9B];
	_ =	swait.ge [sflag:s4], $0x0  }
0x19: {  	s7 =	sld [smem:$0x3F9C]  }
0x1a: {  	s8 =	sadd.s32 $0xFFFFE003, lr  }
0x1b: {  	s9 =	sadd.s32 $0xFFFFFEF7, lr;
	s5 =	simm.s32 $0xFFFFFFFF;
	p2 =	slt.u32 s8, $0xFFFFF086  }
0x1c: {  	p1 =	slt.u32 s9, $0xF7A;
	s5 =	simm.s32 @!p2 $0x0  }
0x1d: {  	s5 =	simm.s32 @p1 $0x1;
	p0 =	seq.s32 s7, s2  }
0x1e: {  	s7 =	smul.u32 @!p0 $0xF7A, s2;
	p2 =	seq.s32 @!p0 s5, $0x0  }
0x1f: {  	s9 =	smul.u32 $0xF7A, s1;
	s8 =	simm.s32 @!p0 $0x1BF5;
	p2 =	por !p2, p0  }
0x20: {  	[sflag:s8] =	ssyncset.s32 @!p0 $0xFFFFF086;
	s6 =	sadd.s32 @!p0 s3, s7;
	s7 =	simm.s32 @!p0 $0x108  }
0x21: {  	s3 =	sadd.s32 s3, s9;
	s6 =	sadd.s32 @!p0 $0x88, s6;
	s7 =	simm.s32 @p2 $0x1082  }
0x22: {  	[simem:s7], [sflag:s8] =	dma.local @!p0 [hbm:s6], $0xF7A  }
0x23: {  	s9 =	sor.u32 $0xD0000000, s2;
	s6 =	simm.s32 $0x108;
	_ =	swait.ge @!p0 [sflag:s8], $0x0  }
0x24: {  	s3 =	sadd.s32 $0x88, s3;
	s6 =	simm.s32 @!p1 $0x1082;
	[sflag:s4] =	ssyncset.s32 $0xFFFFF086  }
0x25: {  	[simem:s6], [sflag:s4] =	dma.local [hbm:s3], $0xF7A  }
0x26: {  	[smem:$0x3F9C] =	sst s1;
	(tag) =	ssettag s2;
	_ =	strace s9  }
0x27: {  	s1 =	sld [smem:$0x3FAC]  }
0x28: {  	s2 =	sld [smem:$0x3FAD]  }
0x29: {  	s4 =	sld [smem:$0x3FAF]  }
0x2a: {  	p0 =	seq.s32 s5, $0x0;
	s5 =	sld [smem:$0x3FB0]  }
0x2b: {  	s6 =	sld [smem:$0x3FB1]  }
0x2c: {  	s7 =	sld [smem:$0x3FB2]  }
0x2d: {  	s3 =	simm.s32 $0x108;
	s8 =	sld [smem:$0x3FB3]  }
0x2e: {  	s3 =	simm.s32 @!p0 $0x1082;
	s9 =	sld [smem:$0x3FB4]  }
0x2f: {  	lr =	sadd.s32 s0, s3;
	s0 =	sld [smem:$0x3FAB]  }
0x30: {  	s3 =	sld [smem:$0x3FAE]  }
0x31: {  	[smem:$0x3FB7] =	sst s10  }
0x32: {  	s10 =	sld [smem:$0x3FB5];
	_ =	sdelay $0x3  }
0x33: {  	p0 =	seq.s32 s10, $0x1;
	s10 =	sld [smem:$0x3FB7];
	_ =	sdelay $0x3  }
0x34: {  	[smem:$0x3FB7] =	sst s10  }
0x35: {  	s10 =	sld [smem:$0x3FB6];
	_ =	sdelay $0x3  }
0x36: {  	p1 =	seq.s32 s10, $0x1;
	s10 =	sld [smem:$0x3FB7];
	_ =	sdelay $0x3  }
0x37: {  	[smem:$0x3FB7] =	sst s10  }
0x38: {  	s10 =	sld [smem:$0x3FB8]  }
0x39: {  	_ = 	snop;
	(pc) =	sbr.ind lr, $3  }
0x3a: {  	_ = 	snop  }
0x3b: {  	_ = 	snop  }
0x3c: {  	p2 =	seq.s32 s10, $0x1;
	s10 =	sld [smem:$0x3FB7]  }
0x3d: {  	_ =	shalt  }
0x3e: {  	_ =	shalt  }
0x3f: {  	_ =	shalt  }
0x40: {  	_ =	shalt  }
0x41: {  	_ =	shalt  }
0x42: {  	_ =	shalt  }
0x43: {  	_ =	shalt  }
0x44: {  	_ =	shalt  }
0x45: {  	_ =	shalt  }
0x46: {  	_ =	shalt  }
0x47: {  	_ =	shalt  }
0x48: {  	_ =	shalt  }
0x49: {  	_ =	shalt  }
0x4a: {  	_ =	shalt  }
0x4b: {  	_ =	shalt  }
0x4c: {  	_ =	shalt  }
0x4d: {  	_ =	shalt  }
0x4e: {  	_ =	shalt  }
0x4f: {  	_ =	shalt  }
0x50: {  	_ =	shalt  }
0x51: {  	_ =	shalt  }
0x52: {  	_ =	shalt  }
0x53: {  	_ =	shalt  }
0x54: {  	_ =	shalt  }
0x55: {  	_ =	shalt  }
0x56: {  	_ =	shalt  }
0x57: {  	_ =	shalt  }
0x58: {  	_ =	shalt  }
0x59: {  	_ =	shalt  }
0x5a: {  	_ =	shalt  }
0x5b: {  	_ =	shalt  }
0x5c: {  	_ =	shalt  }
0x5d: {  	_ =	shalt  }
0x5e: {  	_ =	shalt  }
0x5f: {  	_ =	shalt  }
0x60: {  	_ =	shalt  }
0x61: {  	_ =	shalt  }
0x62: {  	_ =	shalt  }
0x63: {  	_ =	shalt  }
0x64: {  	_ =	shalt  }
0x65: {  	_ =	shalt  }
0x66: {  	_ =	shalt  }
0x67: {  	_ =	shalt  }
0x68: {  	_ =	shalt  }
0x69: {  	_ =	shalt  }
0x6a: {  	_ =	shalt  }
0x6b: {  	_ =	shalt  }
0x6c: {  	_ =	shalt  }
0x6d: {  	_ =	shalt  }
0x6e: {  	_ =	shalt  }
0x6f: {  	_ =	shalt  }
0x70: {  	_ =	shalt  }
0x71: {  	_ =	shalt  }
0x72: {  	_ =	shalt  }
0x73: {  	_ =	shalt  }
0x74: {  	_ =	shalt  }
0x75: {  	_ =	shalt  }
0x76: {  	_ =	shalt  }
0x77: {  	_ =	shalt  }
0x78: {  	_ =	shalt  }
0x79: {  	_ =	shalt  }
0x7a: {  	_ =	shalt  }
0x7b: {  	_ =	shalt  }
0x7c: {  	_ =	shalt  }
0x7d: {  	_ =	shalt  }
0x7e: {  	_ =	shalt  }
0x7f: {  	_ =	shalt  }
0x80: {  	_ =	shalt  }
0x81: {  	_ =	shalt  }
0x82: {  	_ =	shalt  }
0x83: {  	_ =	shalt  }
0x84: {  	_ =	shalt  }
0x85: {  	_ =	shalt  }
0x86: {  	_ =	shalt  }
0x87: {  	_ =	shalt  }
.Lfunc_end0:
.L_simem_size_0:
called_computation.1_lowered:
.L_overlay_start_0:
0x88: {  	s2 =	sld [smem:$0x3FD9]  }
0x89: {  	s3 =	sld [smem:$0x3FFE];
	_ =	sdelay $0x1  }
0x8a: {  	s1 =	srdreg.scid  }
0x8b: {  	s0 =	sand.u32 $0x1, s1  }
0x8c: {  	s16 =	sshll.u32 s0, $0xA;
	s2 =	sadd.s32 s3, s2  }
0x8d: {  	s2 =	sadd.s32 s2, s16  }
0x8e: {  	[smem:$0x3FC3] =	sst s2  }
0x8f: {  	_ = 	snop  }
0x90: {  	(tm) =	ssettm $0x1  }
0x91: {  	s17 =	sld [smem:$0x3FFB];
	_ =	sdelay $0x3  }
0x92: {  	_ =	strace s17  }
0x93: {  	s2 =	sld [smem:$0x3FFC];
	_ =	sdelay $0x3  }
0x94: {  	_ =	strace s2  }
0x95: {  	s2 =	sld [smem:$0x3FFD];
	_ =	sdelay $0x3  }
0x96: {  	_ =	strace s2  }
0x97: {  	_ =	strace $0x8FFFFFFF  }
0x98: {  	s18 =	sld [smem:$0x3FDB];
	_ =	sdelay $0x1  }
0x99: {  	s19 =	simm.s32 $_scs_section_size  }
0x9a: {  	s4 =	simm.s32 $_size__tile_overlayer_lowered;
	s5 =	simm.s32 $_tile_overlayer_lowered  }
0x9b: {  	s22 =	simm.s32 $0x1BFF;
	s21 =	sshll.u32 s5, $0x1;
	s2 =	sadd.s32 s19, s18  }
0x9c: {  	s6 =	simm.s32 $0x0;
	s20 =	sshll.u32 s4, $0x1;
	s4 =	sadd.s32 s21, s2  }
0x9d: {  	[timem:s6], [sflag:s22] =	dma.local [hbm:s4], s20  }
0x9e: {  	_ =	swait.ge [sflag:s22], s20  }
0x9f: {  	s3 =	ssub.s32 $0x0, s20;
	[sflag:s22] =	ssyncset.done $0x0  }
0xa0: {  	[sflag:s22] =	ssyncadd.s32 s3;
	_ =	sdelay $0x1  }
0xa1: {  	s23 =	simm.s32 $0x1B8B  }
0xa2: {  	_ =	swait.ge [sflag:s23], $0x1  }
0xa3: {  	[sflag:s23] =	ssyncset.done $0x0  }
0xa4: {  	s25 =	simm.s32 $0x1B8E;
	s24 =	sld [smem:$0x3FFE];
	[sflag:s23] =	ssyncadd.s32 $0xFFFFFFFF  }
0xa5: {  	s26 =	simm.s32 $execute0_lowered;
	[smem:$0x3FD2] =	sst s25  }
0xa6: {  	s4 =	sshll.u32 s26, $0x1;
	_ =	strace $0x80000046;
	[dreg:$0x1] =	wrdreg $0xFFFFFFFF  }
0xa7: {  	s28 =	simm.s32 $_size_execute0_lowered;
	s2 =	sadd.s32 s2, s4;
	[dreg:$0x0] =	wrdreg $0x0  }
0xa8: {  	s4 =	sshll.u32 s28, $0x1;
	[dreg:$0x2] =	wrdreg s2  }
0xa9: {  	[dreg:$0x3] =	wrdreg s4  }
0xaa: {  	[dreg:$0x4] =	wrdreg $0xC0  }
0xab: {  	_ =	task [dreg:s6], $0x5FFFF  }
0xac: {  	[dreg:$0x1] =	wrdreg $0xFFFFFFFF  }
0xad: {  	[dreg:$0x0] =	wrdreg $0x60  }
0xae: {  	[dreg:$0x2] =	wrdreg s24  }
0xaf: {  	[dreg:$0x3] =	wrdreg $0x40800  }
0xb0: {  	[dreg:$0x4] =	wrdreg $0xA  }
0xb1: {  	_ =	task.clear_ibuf [dreg:s6], $0x5FFFF;
	_ =	strace $0x90000046  }
0xb2: {  	s29 =	simm.s32 $0xA;
	_ =	strace $0x80000048  }
0xb3: {  	_ =	swait.ge [sflag:s29], $0x1  }
0xb4: {  	[sflag:s29] =	ssyncadd.s32 $0xFFFFFFFF  }
0xb5: {  	_ =	strace $0x90000048  }
0xb6: {  	_ =	sfence  }
0xb7: {  	s30 =	sld [smem:$0x0];
	_ =	sdelay $0x2  }
0xb8: {  	s31 =	sshll.u32 s1, $0xD;
	s1 =	sshrl.u32 s1, $0x2  }
0xb9: {  	s3 =	sand.u32 $0x4000, s31;
	s1 =	sadd.s32 s1, s30  }
0xba: {  	s0 =	sor.u32 s3, s0;
	s1 =	sshll.u32 s1, $0x11  }
0xbb: {  	s0 =	sor.u32 s1, s0  }
0xbc: {  	s0 =	sadd.s32 $0x8F2B, s0  }
0xbd: {  	[sflag:s0] =	ssyncadd.remote.s32 $0x1  }
0xbe: {  	_ =	sfence.sel $0xFFFF  }
0xbf: {  	[dreg:$0x0] =	wrdreg $0xFFFFFFFF;
	(pc) =	sbr.abs _section_cstart, $3  }
0xc0: {  	[dreg:$0x1] =	wrdreg $0xFFFFFFFF  }
0xc1: {  	_ =	task.clear_ibuf [dreg:s6], $0x2FFFF;
	_ =	strace $0x9FFFFFFF  }
0xc2: {  	(tm) =	ssettm $0x7FFFFFFF  }
0xc3: {  	_ =	shalt  }
tec
execute0_lowered:
.L_overlay_start_1:
0x0: {  	(tag) =	ssettag $0x1  }
0x1: {  	s4 =	rddreg [dreg:$0x0]  }
0x2: {  	s2 =	rddreg [dreg:$0x1];
	s1 =	stileid.u32  }
0x3: {  	s0 =	rddreg [dreg:$0x2];
	s5 =	smul.u32 $0x9E0, s1  }
0x4: {  	s3 =	simm.s32 $0x0;
	s6 =	srdreg.scid;
	s24 =	smul.u32 $0x50000, s1  }
0x5: {  	[smem:$0x7FF] =	sst s3;
	s11 =	sand.u32 $0x1, s6;
	s8 =	smul.u32 $0x14000, s1  }
0x6: {  	s14 =	sadd.s32 $0xAE00, s4;
	_ =	strace $0x80000047;
	s17 =	smul.u32 $0x140000, s11  }
0x7: {  	s25 =	ssub.s32 $0x2, s11;
	s28 =	smul.u32 $0x4F0, s11;
	s13 =	sadd.s32 s5, s4  }
0x8: {  	s26 =	sshrl.u32 s25, $0x1;
	s6 =	sshrl.u32 s24, $0x2;
	s9 =	sadd.s32 $0x4000, s8  }
0x9: {  	s12 =	sadd.s32 $0x8000, s8;
	s16 =	sadd.s32 $0xC000, s8;
	s18 =	sadd.s32 $0x10000, s8  }
0xa: {  	s15 =	ssub.s32 s25, s26;
	s4 =	sadd.s32 s6, s2;
	s5 =	sadd.s32 s9, s2  }
0xb: {  	s6 =	sadd.s32 s12, s2;
	s7 =	sadd.s32 s16, s2;
	s10 =	sadd.s32 s8, s17  }
0xc: {  	s9 =	sadd.s32 s17, s9;
	s8 =	sadd.s32 s18, s2;
	s12 =	sadd.s32 s17, s12  }
0xd: {  	s16 =	sadd.s32 s17, s16;
	s30 =	sadd.s32 s17, s18;
	s31 =	sadd.s32 s28, s13  }
0xe: {  	s17 =	simm.s32 $0x1;
	s18 =	simm.s32 $0x0;
	s10 =	sshrl.u32 s10, $0x3  }
0xf: {  	s19 =	sshrl.u32 s9, $0x3;
	s12 =	sshrl.u32 s12, $0x3;
	s29 =	sshrl.u32 s16, $0x3  }
0x10: {  	s16 =	sshrl.u32 s30, $0x3;
	s9 =	sadd.s32 s14, s10;
	s10 =	sadd.s32 s14, s19  }
0x11: {  	s11 =	sadd.s32 s14, s12;
	s12 =	sadd.s32 s14, s29;
	s13 =	sadd.s32 s14, s16  }
0x12: {  	v0 =	vimm.f32 $0.0e+00;
	v1 =	vimm.f32 $1.000000000e+00;
	s14 =	smax.u32 s15, $0x1;
	s15 =	sadd.s32 $0x1000, s31;
	s16 =	simm.s32 $0x80  }
.LBB2_1:
0x13: {  	s19 =	simm.s32 $0x0;
	s20 =	simm.s32 $0x200  }
.LBB2_2:
0x14: {  	p0 =	sne.s32 s20, $0xFE00;
	[tilespmem:s19+$0xF0] =	vst v0  }
0x15: {  	[tilespmem:s19+$0x80] =	vst v0  }
0x16: {  	[tilespmem:s19+$0x90] =	vst v0  }
.Ltmp0:
0x17: {  	[tilespmem:s19+$0xA0] =	vst v0;
	(pc) =	sbr.rel @p0 .LBB2_2-.Ltmp0, $4  }
0x18: {  	[tilespmem:s19+$0xB0] =	vst v0  }
0x19: {  	[tilespmem:s19+$0xC0] =	vst v0  }
0x1a: {  	[tilespmem:s19+$0xD0] =	vst v0  }
0x1b: {  	[tilespmem:s19+$0xE0] =	vst v0;
	s19 =	sshra.s32 s20, $0x2;
	s20 =	sadd.s32 $0x200, s20  }
0x1c: {  	[tilespmem:s19+$0xF0] =	vst v0  }
0x1d: {  	[tilespmem:s19+$0x80] =	vst v0  }
0x1e: {  	[tilespmem:s19+$0x90] =	vst v0  }
0x1f: {  	[tilespmem:s19+$0xA0] =	vst v0  }
0x20: {  	[tilespmem:s19+$0xB0] =	vst v0  }
0x21: {  	[tilespmem:s19+$0xC0] =	vst v0  }
0x22: {  	[tilespmem:s19+$0xD0] =	vst v0  }
0x23: {  	[tilespmem:s19+$0xE0] =	vst v0  }
0x24: {  	[spmem:s4] =	stream.linear.scatter [tilespmem:s16], [sflag:$0x1], $0x4000, $0x38;
	[tilespmem:$0x18080] =	vst v63  }
0x25: {  	_ =	swait.ge [sflag:s17], $0x4000  }
0x26: {  	[sflag:s17] =	ssyncset.done $0x0  }
0x27: {  	[sflag:s17] =	ssyncadd.s32 $0xFFFFC000  }
0x28: {  	[spmem:s5] =	stream.linear.scatter [tilespmem:s16], [sflag:$0x1], $0x4000, $0x38;
	[tilespmem:$0x18080] =	vst v63  }
0x29: {  	_ =	swait.ge [sflag:s17], $0x4000  }
0x2a: {  	[sflag:s17] =	ssyncset.done $0x0  }
0x2b: {  	[sflag:s17] =	ssyncadd.s32 $0xFFFFC000  }
0x2c: {  	[spmem:s6] =	stream.linear.scatter [tilespmem:s16], [sflag:$0x1], $0x4000, $0x38;
	[tilespmem:$0x18080] =	vst v63  }
0x2d: {  	_ =	swait.ge [sflag:s17], $0x4000  }
0x2e: {  	[sflag:s17] =	ssyncset.done $0x0  }
0x2f: {  	[sflag:s17] =	ssyncadd.s32 $0xFFFFC000  }
0x30: {  	[spmem:s7] =	stream.linear.scatter [tilespmem:s16], [sflag:$0x1], $0x4000, $0x38;
	[tilespmem:$0x18080] =	vst v63  }
0x31: {  	_ =	swait.ge [sflag:s17], $0x4000  }
0x32: {  	[sflag:s17] =	ssyncset.done $0x0  }
0x33: {  	[sflag:s17] =	ssyncadd.s32 $0xFFFFC000  }
0x34: {  	[spmem:s8] =	stream.linear.scatter [tilespmem:s16], [sflag:$0x1], $0x4000, $0x38;
	[tilespmem:$0x18080] =	vst v63  }
0x35: {  	_ =	swait.ge [sflag:s17], $0x4000  }
0x36: {  	[sflag:s17] =	ssyncset.done $0x0  }
0x37: {  	s19 =	simm.s32 $0x0;
	s20 =	simm.s32 $0x200;
	[sflag:s17] =	ssyncadd.s32 $0xFFFFC000  }
.LBB2_4:
0x38: {  	p0 =	sne.s32 s20, $0xFE00;
	[tilespmem:s19+$0xF0] =	vst v1  }
0x39: {  	[tilespmem:s19+$0x80] =	vst v1  }
0x3a: {  	[tilespmem:s19+$0x90] =	vst v1  }
.Ltmp1:
0x3b: {  	[tilespmem:s19+$0xA0] =	vst v1;
	(pc) =	sbr.rel @p0 .LBB2_4-.Ltmp1, $4  }
0x3c: {  	[tilespmem:s19+$0xB0] =	vst v1  }
0x3d: {  	[tilespmem:s19+$0xC0] =	vst v1  }
0x3e: {  	[tilespmem:s19+$0xD0] =	vst v1  }
0x3f: {  	[tilespmem:s19+$0xE0] =	vst v1;
	s19 =	sshra.s32 s20, $0x2;
	s20 =	sadd.s32 $0x200, s20  }
0x40: {  	[tilespmem:s19+$0xF0] =	vst v1  }
0x41: {  	[tilespmem:s19+$0x80] =	vst v1  }
0x42: {  	[tilespmem:s19+$0x90] =	vst v1  }
0x43: {  	[tilespmem:s19+$0xA0] =	vst v1  }
0x44: {  	[tilespmem:s19+$0xB0] =	vst v1  }
0x45: {  	[tilespmem:s19+$0xC0] =	vst v1  }
0x46: {  	[tilespmem:s19+$0xD0] =	vst v1  }
0x47: {  	[tilespmem:s19+$0xE0] =	vst v1  }
0x48: {  	s31 =	sadd.s32 $0x0, s15;
	[bflag:$0x0] =	sbarrier.arrive $0xFFFF  }
0x49: {  	[tilespmem:s3], [sflag:$0x1] =	stream.linear.gather [hbm4b:s31+s3], $0x80, $0x38;
	[tilespmem:$0x18080] =	vst v63  }
0x4a: {  	_ =	swait.ge [sflag:s17], $0x80  }
0x4b: {  	[sflag:s17] =	ssyncset.done $0x0  }
0x4c: {  	[sflag:s17] =	ssyncadd.s32 $0xFFFFFF80  }
0x4d: {  	[spmem:s2] =	stream.indirect.scatter.add.f32 [tilespmem:s16], [sflag:$0x1], $0x80, s3, s16, $0xb8;
	[tilespmem:$0x18080] =	vst v63  }
0x4e: {  	_ =	swait.ge [sflag:s17], $0x4000  }
0x4f: {  	s19 =	simm.s32 $0x10;
	s20 =	simm.s32 $0x20;
	[sflag:s17] =	ssyncset.done $0x0  }
.LBB2_6:
0x50: {  	s21 =	sadd.s32 s19, s15  }
0x51: {  	[sflag:s17] =	ssyncadd.s32 $0xFFFFC000;
	s19 =	smov.u32 s20;
	s22 =	sadd.s32 $0x10, s20  }
0x52: {  	[tilespmem:s3], [sflag:$0x1] =	stream.linear.gather [hbm4b:s21+s3], $0x80, $0x38;
	[tilespmem:$0x18080] =	vst v63  }
0x53: {  	p0 =	sne.s32 s20, $0x4E0;
	_ =	swait.ge [sflag:s17], $0x80  }
.Ltmp2:
0x54: {  	[sflag:s17] =	ssyncset.done $0x0;
	(pc) =	sbr.rel @p0 .LBB2_6-.Ltmp2, $4  }
0x55: {  	[sflag:s17] =	ssyncadd.s32 $0xFFFFFF80  }
0x56: {  	[spmem:s2] =	stream.indirect.scatter.add.f32 [tilespmem:s16], [sflag:$0x1], $0x80, s3, s16, $0xb8;
	[tilespmem:$0x18080] =	vst v63  }
0x57: {  	_ =	swait.ge [sflag:s17], $0x4000  }
0x58: {  	s20 =	smov.u32 s22;
	[sflag:s17] =	ssyncset.done $0x0  }
0x59: {  	s19 =	sadd.s32 s19, s15;
	[sflag:s17] =	ssyncadd.s32 $0xFFFFC000  }
0x5a: {  	[tilespmem:s3], [sflag:$0x1] =	stream.linear.gather [hbm4b:s19+s3], $0x80, $0x38;
	[tilespmem:$0x18080] =	vst v63  }
0x5b: {  	_ =	swait.ge [sflag:s17], $0x80  }
0x5c: {  	[sflag:s17] =	ssyncset.done $0x0  }
0x5d: {  	[sflag:s17] =	ssyncadd.s32 $0xFFFFFF80  }
0x5e: {  	[spmem:s2] =	stream.indirect.scatter.add.f32 [tilespmem:s16], [sflag:$0x1], $0x80, s3, s16, $0xb8;
	[tilespmem:$0x18080] =	vst v63  }
0x5f: {  	_ =	swait.ge [sflag:s17], $0x4000  }
0x60: {  	[sflag:s17] =	ssyncset.done $0x0  }
0x61: {  	[sflag:s17] =	ssyncadd.s32 $0xFFFFC000  }
0x62: {  	[bflag:$0x0] =	sbarrier.arrive $0xFFFF  }
0x63: {  	[tilespmem:s16], [sflag:$0x1] =	stream.linear.gather [spmem:s4], $0x4000, $0x38;
	[tilespmem:$0x18080] =	vst v63  }
0x64: {  	_ =	swait.ge [sflag:s17], $0x4000  }
0x65: {  	[sflag:s17] =	ssyncset.done $0x0  }
0x66: {  	[sflag:s17] =	ssyncadd.s32 $0xFFFFC000  }
0x67: {  	[hbm4b:s9+s3] =	stream.linear.scatter [tilespmem:s16], [sflag:$0x1], $0x4000, $0x38;
	[tilespmem:$0x18080] =	vst v63  }
0x68: {  	_ =	swait.ge [sflag:s17], $0x4000  }
0x69: {  	[sflag:s17] =	ssyncset.done $0x0  }
0x6a: {  	[sflag:s17] =	ssyncadd.s32 $0xFFFFC000  }
0x6b: {  	[tilespmem:s16], [sflag:$0x1] =	stream.linear.gather [spmem:s5], $0x4000, $0x38;
	[tilespmem:$0x18080] =	vst v63  }
0x6c: {  	_ =	swait.ge [sflag:s17], $0x4000  }
0x6d: {  	[sflag:s17] =	ssyncset.done $0x0  }
0x6e: {  	[sflag:s17] =	ssyncadd.s32 $0xFFFFC000  }
0x6f: {  	[hbm4b:s10+s3] =	stream.linear.scatter [tilespmem:s16], [sflag:$0x1], $0x4000, $0x38;
	[tilespmem:$0x18080] =	vst v63  }
0x70: {  	_ =	swait.ge [sflag:s17], $0x4000  }
0x71: {  	[sflag:s17] =	ssyncset.done $0x0  }
0x72: {  	[sflag:s17] =	ssyncadd.s32 $0xFFFFC000  }
0x73: {  	[tilespmem:s16], [sflag:$0x1] =	stream.linear.gather [spmem:s6], $0x4000, $0x38;
	[tilespmem:$0x18080] =	vst v63  }
0x74: {  	_ =	swait.ge [sflag:s17], $0x4000  }
0x75: {  	[sflag:s17] =	ssyncset.done $0x0  }
0x76: {  	[sflag:s17] =	ssyncadd.s32 $0xFFFFC000  }
0x77: {  	[hbm4b:s11+s3] =	stream.linear.scatter [tilespmem:s16], [sflag:$0x1], $0x4000, $0x38;
	[tilespmem:$0x18080] =	vst v63  }
0x78: {  	_ =	swait.ge [sflag:s17], $0x4000  }
0x79: {  	[sflag:s17] =	ssyncset.done $0x0  }
0x7a: {  	[sflag:s17] =	ssyncadd.s32 $0xFFFFC000  }
0x7b: {  	[tilespmem:s16], [sflag:$0x1] =	stream.linear.gather [spmem:s7], $0x4000, $0x38;
	[tilespmem:$0x18080] =	vst v63  }
0x7c: {  	_ =	swait.ge [sflag:s17], $0x4000  }
0x7d: {  	[sflag:s17] =	ssyncset.done $0x0  }
0x7e: {  	[sflag:s17] =	ssyncadd.s32 $0xFFFFC000  }
0x7f: {  	[hbm4b:s12+s3] =	stream.linear.scatter [tilespmem:s16], [sflag:$0x1], $0x4000, $0x38;
	[tilespmem:$0x18080] =	vst v63  }
0x80: {  	_ =	swait.ge [sflag:s17], $0x4000  }
0x81: {  	[sflag:s17] =	ssyncset.done $0x0  }
0x82: {  	[sflag:s17] =	ssyncadd.s32 $0xFFFFC000  }
0x83: {  	[tilespmem:s16], [sflag:$0x1] =	stream.linear.gather [spmem:s8], $0x4000, $0x38;
	[tilespmem:$0x18080] =	vst v63  }
0x84: {  	s18 =	sadd.s32 $0x1, s18;
	_ =	swait.ge [sflag:s17], $0x4000  }
0x85: {  	p0 =	sne.s32 s18, s14;
	[sflag:s17] =	ssyncset.done $0x0  }
.Ltmp3:
0x86: {  	[sflag:s17] =	ssyncadd.s32 $0xFFFFC000;
	(pc) =	sbr.rel @p0 .LBB2_1-.Ltmp3, $4  }
0x87: {  	[hbm4b:s13+s3] =	stream.linear.scatter [tilespmem:s16], [sflag:$0x1], $0x4000, $0x38;
	[tilespmem:$0x18080] =	vst v63  }
0x88: {  	_ =	swait.ge [sflag:s17], $0x4000  }
0x89: {  	[sflag:s17] =	ssyncset.done $0x0  }
0x8a: {  	[sflag:s17] =	ssyncadd.s32 $0xFFFFC000  }
0x8b: {  	_ =	sfence.sel $0x180000  }
0x8c: {  	[bflag:$0x0] =	sbarrier.arrive $0xFFFF  }
0x8d: {  	p0 =	sne.s32 s1, $0x0;
	_ =	strace $0x90000047  }
0x8e: {  	s0 =	sadd.s32 @!p0 $0x100000, s0;
	[bflag:$0x2] =	sbarrier.arrive $0xFFFF  }
0x8f: {  	[sflag:s0] =	ssyncadd.tile.s32 @!p0 $0x1;
	_ =	shalt  }
.Lfunc_end2:
_tile_overlayer_lowered:
.L_overlay_start_2:
0x90: {  	(tag) =	ssettag $0x2  }
0x91: {  	s0 =	rddreg [dreg:$0x0];
	s2 =	stileid.u32  }
0x92: {  	s1 =	rddreg [dreg:$0x1];
	p0 =	sne.s32 s2, $0x0  }
0x93: {  	s3 =	rddreg [dreg:$0x2];
	[bflag:$0x3] =	sbarrier.arrive $0xFFFF;
	s2 =	simm.s32 @!p0 $0x1C01  }
0x94: {  	[timem:s3], [sflag:s2] =	dma.local @!p0 [hbm:s0], s1  }
0x95: {  	s0 =	simm.s32 @!p0 $0x1  }
0x96: {  	_ =	swait.ge @!p0 [sflag:s0], s1  }
0x97: {  	s1 =	ssub.s32 @!p0 $0x0, s1;
	[sflag:s0] =	ssyncset.done @!p0 $0x0  }
0x98: {  	[sflag:s0] =	ssyncadd.s32 @!p0 s1  }
0x99: {  	[bflag:$0x3] =	sbarrier.arrive $0xFFFF  }
0x9a: {  	_ =	shalt  }

</sc_bundles>
